<compile_context>
chip_gen: v7x
topology: tpu7x:2x2x1
jax: 0.10.2.dev20260603
libtpu: 0.0.44.dev20260713+nightly
codegen_flags: <defaults>
</compile_context>

<pallas_src>
import functools

import jax
import jax.numpy as jnp
from jax import lax
from jax.experimental import pallas as pl
from jax.experimental.pallas import tpu as pltpu
from jax.experimental.pallas import tpu_sc as plsc

N = 1048576
D = 32
OUT = 16
LANES = 16
NUM_CORES = 2
NUM_SUBCORES = 16
NW = NUM_CORES * NUM_SUBCORES

N_SC = 589824
N_TC = N - N_SC
ROWS_W = N_SC // NW
CW = 1024
NCHUNK = ROWS_W // CW
GROUPS = CW // LANES

TC_BC = 16384
TC_OFF = N_SC // TC_BC

_mesh = plsc.VectorSubcoreMesh(core_axis_name="c", subcore_axis_name="s")


@functools.partial(
    pl.kernel,
    out_type=jax.ShapeDtypeStruct((N_SC,), jnp.float32),
    mesh=_mesh,
    scratch_types=[
        pltpu.VMEM((D, CW), jnp.float32),
        pltpu.VMEM((D, CW), jnp.float32),
        pltpu.VMEM((ROWS_W,), jnp.float32),
        pltpu.VMEM((OUT * D,), jnp.float32),
        pltpu.VMEM((OUT,), jnp.float32),
        pltpu.SemaphoreType.DMA,
        pltpu.SemaphoreType.DMA,
    ],
    compiler_params=pltpu.CompilerParams(
        needs_layout_passes=False, use_tc_tiling_on_sc=True),
)
def _sc_rowsum(xt_hbm, w_hbm, b_hbm, out_hbm,
               buf0, buf1, obuf, wvm, bvm, sem0, sem1):
    wid = lax.axis_index("s") * NUM_CORES + lax.axis_index("c")
    row0 = wid * ROWS_W

    def in_copy(c, buf, sem):
        return pltpu.make_async_copy(
            xt_hbm.at[:, pl.ds(row0 + c * CW, CW)], buf, sem)

    in_copy(0, buf0, sem0).start()
    in_copy(1, buf1, sem1).start()

    pltpu.sync_copy(w_hbm, wvm)
    pltpu.sync_copy(b_hbm, bvm)
    bvec = bvm[...]
    bsum = bvec[0]
    for o in range(1, OUT):
        bsum = bsum + bvec[o]
    wj = []
    for h in range(D // LANES):
        acc = wvm[pl.ds(h * LANES, LANES)]
        for o in range(1, OUT):
            acc = acc + wvm[pl.ds(o * D + h * LANES, LANES)]
        wj.extend(acc[j] for j in range(LANES))
    wjb = [jnp.broadcast_to(w, (LANES,)) for w in wj]
    bsum_vec = jnp.broadcast_to(bsum, (LANES,))

    def chunk_compute(c, buf):
        @plsc.parallel_loop(0, GROUPS, unroll=2)
        def gbody(g):
            r = g * LANES
            accs = [None] * 4
            for j in range(D):
                t = buf[j, pl.ds(r, LANES)] * wjb[j]
                k = j % 4
                accs[k] = t if accs[k] is None else accs[k] + t
            acc = (accs[0] + accs[1]) + (accs[2] + accs[3]) + bsum_vec
            obuf[pl.ds(c * CW + r, LANES)] = acc

    def pair_body(i, carry):
        for par, (buf, sem) in enumerate(((buf0, sem0), (buf1, sem1))):
            c = i * 2 + par
            in_copy(c, buf, sem).wait()
            chunk_compute(c, buf)

            @pl.when(i < NCHUNK // 2 - 1)
            def _():
                in_copy(c + 2, buf, sem).start()
        return carry

    lax.fori_loop(0, NCHUNK // 2, pair_body, 0)

    pltpu.sync_copy(obuf, out_hbm.at[pl.ds(row0, ROWS_W)])


def _tc_body(xt_ref, w_ref, b_ref, o_ref):
    wsum = jnp.sum(w_ref[...], axis=0)
    bsum = jnp.sum(b_ref[...])
    blk = xt_ref[...]
    o_ref[...] = jnp.sum(blk * wsum[:, None], axis=0) + bsum


_tc_rowsum = pl.pallas_call(
    _tc_body,
    grid=(N_TC // TC_BC,),
    in_specs=[
        pl.BlockSpec((D, TC_BC), lambda i: (0, TC_OFF + i)),
        pl.BlockSpec((OUT, D), lambda i: (0, 0)),
        pl.BlockSpec((OUT,), lambda i: (0,)),
    ],
    out_specs=pl.BlockSpec((TC_BC,), lambda i: (i,)),
    out_shape=jax.ShapeDtypeStruct((N_TC,), jnp.float32),
)


def kernel(x, W, b):
    xt = x.T
    s_sc = _sc_rowsum(xt, W.reshape(-1), b)
    s_tc = _tc_rowsum(xt, W, b)
    return jnp.concatenate([s_sc, s_tc])

# --- scband reference (transcript-rebuilt; emitter-appended) ---
"""Pipeline reference for scband-constant-inplace-model-24988119728783 (READ-ONLY COPY).

The authoritative reference and input builder live on the scoring server;
editing this copy changes nothing except your own understanding.
"""

import jax, jax.numpy as jnp
import numpy as np


def setup_inputs(seed: int = 0) -> dict:
    key = jax.random.key(seed)
    kx, kw, kb = jax.random.split(key, 3)
    N, D, OUT = 1048576, 32, 16
    x = jax.random.normal(kx, (N, D), dtype=jnp.float32)
    # nn.Linear(input_dim, 16) parameters
    W = jax.random.normal(kw, (OUT, D), dtype=jnp.float32) * (1.0 / np.sqrt(D))
    b = jax.random.normal(kb, (OUT,), dtype=jnp.float32) * (1.0 / np.sqrt(D))
    return {"x": x, "W": W, "b": b}


def reference(x, W, b):
    # x = self.fc(x)
    h = x @ W.T + b
    # indices = x.sum(dim=-1).nonzero().squeeze(-1)
    s = h.sum(axis=-1)
    n = x.shape[0]
    mask = s != 0
    # y = x[indices].sum(-1); values at nonzero positions are exactly s there
    y = jnp.where(mask, s, jnp.zeros_like(s))
    # scatter y at nonzero positions of a length-n zeros buffer; masked-out
    # positions are routed out of bounds and dropped, leaving zeros, which
    # matches zeros(max_len).at[indices].set(y) followed by zero-padding to n
    scatter_idx = jnp.where(mask, jnp.arange(n), n)
    result = jnp.zeros((n,), dtype=y.dtype).at[scatter_idx].set(y, mode='drop')
    return result

if __name__ == "__main__":
    import jax
    _d = setup_inputs()
    print(jax.jit(kernel)(*tuple(_d.values())))

</pallas_src>

<mosaic_0001>
#map = affine_map<(d0, d1) -> (0, 0)>
#map1 = affine_map<(d0, d1) -> (0)>
module attributes {stable_mosaic.version = 14 : i64} {
  func.func @_sc_rowsum(%arg0: i32, %arg1: i32, %arg2: memref<32x1048576xf32, #tpu.memory_space<hbm>>, %arg3: memref<512xf32, #tpu.memory_space<hbm>>, %arg4: memref<16xf32, #tpu.memory_space<hbm>>, %arg5: memref<589824xf32, #tpu.memory_space<hbm>>, %arg6: memref<32x1024xf32, #tpu.memory_space<vmem>>, %arg7: memref<32x1024xf32, #tpu.memory_space<vmem>>, %arg8: memref<18432xf32, #tpu.memory_space<vmem>>, %arg9: memref<512xf32, #tpu.memory_space<vmem>>, %arg10: memref<16xf32, #tpu.memory_space<vmem>>, %arg11: memref<!tpu.dma_semaphore, #tpu.memory_space<semaphore_mem>>, %arg12: memref<!tpu.dma_semaphore, #tpu.memory_space<semaphore_mem>>) attributes {dimension_semantics = [#tpu.dimension_semantics<core_parallel>, #tpu.dimension_semantics<subcore_parallel>], iteration_bounds = array<i64: 2, 16>, scalar_prefetch = 0 : i64, scratch_operands = 7 : i64, tpu.core_type = #tpu.core_type<sc_vector_subcore>, window_params = [{transform_indices = #map}, {transform_indices = #map1}, {transform_indices = #map1}, {transform_indices = #map1}]} {
    %mul3A = arith.constant 2 : i32
    %mul3A_0 = arith.muli %arg1, %mul3A : i32
    %add3A = arith.addi %mul3A_0, %arg0 : i32
    %mul3A_1 = arith.constant 18432 : i32
    %mul3A_2 = arith.muli %add3A, %mul3A_1 : i32
    %add3A_3 = arith.constant 0 : i32
    %add3A_4 = arith.addi %mul3A_2, %add3A_3 : i32
    %dma_start3A = arith.constant 0 : i32
    %dma_start3A_5 = tpu.memref_slice %arg2[%dma_start3A, %add3A_4] : memref<32x1048576xf32, #tpu.memory_space<hbm>> -> memref<32x1024xf32, #tpu.memory_space<hbm>>
    %dma_start3A_6 = arith.constant 0 : i32
    %dma_start3A_7 = tpu.memref_slice %arg2[%dma_start3A_6, %add3A_4] : memref<32x1048576xf32, #tpu.memory_space<hbm>> -> memref<32x1024xf32, #tpu.memory_space<hbm>>
    tpu.enqueue_dma source(%dma_start3A_7 : memref<32x1024xf32, #tpu.memory_space<hbm>>) target(%arg6 : memref<32x1024xf32, #tpu.memory_space<vmem>>) target_semaphore(%arg11 : memref<!tpu.dma_semaphore, #tpu.memory_space<semaphore_mem>>)
    %add3A_8 = arith.constant 1024 : i32
    %add3A_9 = arith.addi %mul3A_2, %add3A_8 : i32
    %dma_start3A_10 = arith.constant 0 : i32
    %dma_start3A_11 = tpu.memref_slice %arg2[%dma_start3A_10, %add3A_9] : memref<32x1048576xf32, #tpu.memory_space<hbm>> -> memref<32x1024xf32, #tpu.memory_space<hbm>>
    %dma_start3A_12 = arith.constant 0 : i32
    %dma_start3A_13 = tpu.memref_slice %arg2[%dma_start3A_12, %add3A_9] : memref<32x1048576xf32, #tpu.memory_space<hbm>> -> memref<32x1024xf32, #tpu.memory_space<hbm>>
    tpu.enqueue_dma source(%dma_start3A_13 : memref<32x1024xf32, #tpu.memory_space<hbm>>) target(%arg7 : memref<32x1024xf32, #tpu.memory_space<vmem>>) target_semaphore(%arg12 : memref<!tpu.dma_semaphore, #tpu.memory_space<semaphore_mem>>)
    "tpu.region"() ({
      %run_scoped3A = tpu.sem_alloc : memref<!tpu.dma_semaphore, #tpu.memory_space<semaphore_mem>>
      tpu.enqueue_dma source(%arg3 : memref<512xf32, #tpu.memory_space<hbm>>) target(%arg9 : memref<512xf32, #tpu.memory_space<vmem>>) target_semaphore(%run_scoped3A : memref<!tpu.dma_semaphore, #tpu.memory_space<semaphore_mem>>)
      tpu.wait_dma2 semaphore(%run_scoped3A : memref<!tpu.dma_semaphore, #tpu.memory_space<semaphore_mem>>) src(%arg3 : memref<512xf32, #tpu.memory_space<hbm>>) dst(%arg9 : memref<512xf32, #tpu.memory_space<vmem>>)
      tpu.yield
    }) : () -> ()
    "tpu.region"() ({
      %run_scoped3A = tpu.sem_alloc : memref<!tpu.dma_semaphore, #tpu.memory_space<semaphore_mem>>
      tpu.enqueue_dma source(%arg4 : memref<16xf32, #tpu.memory_space<hbm>>) target(%arg10 : memref<16xf32, #tpu.memory_space<vmem>>) target_semaphore(%run_scoped3A : memref<!tpu.dma_semaphore, #tpu.memory_space<semaphore_mem>>)
      tpu.wait_dma2 semaphore(%run_scoped3A : memref<!tpu.dma_semaphore, #tpu.memory_space<semaphore_mem>>) src(%arg4 : memref<16xf32, #tpu.memory_space<hbm>>) dst(%arg10 : memref<16xf32, #tpu.memory_space<vmem>>)
      tpu.yield
    }) : () -> ()
    %get3A = arith.constant 0 : index
    %get3A_14 = tpu.vector_load %arg10[%get3A] {strides = array<i32>} : memref<16xf32, #tpu.memory_space<vmem>>, vector<16xf32>,
    %slice3A = vector.extract_strided_slice %get3A_14 {offsets = [0], sizes = [1], strides = [1]} : vector<16xf32> to vector<1xf32>
    %squeeze3A = vector.extract %slice3A[0] : f32 from vector<1xf32>
    %slice3A_15 = vector.extract_strided_slice %get3A_14 {offsets = [1], sizes = [1], strides = [1]} : vector<16xf32> to vector<1xf32>
    %squeeze3A_16 = vector.extract %slice3A_15[0] : f32 from vector<1xf32>
    %add3A_17 = arith.addf %squeeze3A, %squeeze3A_16 : f32
    %slice3A_18 = vector.extract_strided_slice %get3A_14 {offsets = [2], sizes = [1], strides = [1]} : vector<16xf32> to vector<1xf32>
    %squeeze3A_19 = vector.extract %slice3A_18[0] : f32 from vector<1xf32>
    %add3A_20 = arith.addf %add3A_17, %squeeze3A_19 : f32
    %slice3A_21 = vector.extract_strided_slice %get3A_14 {offsets = [3], sizes = [1], strides = [1]} : vector<16xf32> to vector<1xf32>
    %squeeze3A_22 = vector.extract %slice3A_21[0] : f32 from vector<1xf32>
    %add3A_23 = arith.addf %add3A_20, %squeeze3A_22 : f32
    %slice3A_24 = vector.extract_strided_slice %get3A_14 {offsets = [4], sizes = [1], strides = [1]} : vector<16xf32> to vector<1xf32>
    %squeeze3A_25 = vector.extract %slice3A_24[0] : f32 from vector<1xf32>
    %add3A_26 = arith.addf %add3A_23, %squeeze3A_25 : f32
    %slice3A_27 = vector.extract_strided_slice %get3A_14 {offsets = [5], sizes = [1], strides = [1]} : vector<16xf32> to vector<1xf32>
    %squeeze3A_28 = vector.extract %slice3A_27[0] : f32 from vector<1xf32>
    %add3A_29 = arith.addf %add3A_26, %squeeze3A_28 : f32
    %slice3A_30 = vector.extract_strided_slice %get3A_14 {offsets = [6], sizes = [1], strides = [1]} : vector<16xf32> to vector<1xf32>
    %squeeze3A_31 = vector.extract %slice3A_30[0] : f32 from vector<1xf32>
    %add3A_32 = arith.addf %add3A_29, %squeeze3A_31 : f32
    %slice3A_33 = vector.extract_strided_slice %get3A_14 {offsets = [7], sizes = [1], strides = [1]} : vector<16xf32> to vector<1xf32>
    %squeeze3A_34 = vector.extract %slice3A_33[0] : f32 from vector<1xf32>
    %add3A_35 = arith.addf %add3A_32, %squeeze3A_34 : f32
    %slice3A_36 = vector.extract_strided_slice %get3A_14 {offsets = [8], sizes = [1], strides = [1]} : vector<16xf32> to vector<1xf32>
    %squeeze3A_37 = vector.extract %slice3A_36[0] : f32 from vector<1xf32>
    %add3A_38 = arith.addf %add3A_35, %squeeze3A_37 : f32
    %slice3A_39 = vector.extract_strided_slice %get3A_14 {offsets = [9], sizes = [1], strides = [1]} : vector<16xf32> to vector<1xf32>
    %squeeze3A_40 = vector.extract %slice3A_39[0] : f32 from vector<1xf32>
    %add3A_41 = arith.addf %add3A_38, %squeeze3A_40 : f32
    %slice3A_42 = vector.extract_strided_slice %get3A_14 {offsets = [10], sizes = [1], strides = [1]} : vector<16xf32> to vector<1xf32>
    %squeeze3A_43 = vector.extract %slice3A_42[0] : f32 from vector<1xf32>
    %add3A_44 = arith.addf %add3A_41, %squeeze3A_43 : f32
    %slice3A_45 = vector.extract_strided_slice %get3A_14 {offsets = [11], sizes = [1], strides = [1]} : vector<16xf32> to vector<1xf32>
    %squeeze3A_46 = vector.extract %slice3A_45[0] : f32 from vector<1xf32>
    %add3A_47 = arith.addf %add3A_44, %squeeze3A_46 : f32
    %slice3A_48 = vector.extract_strided_slice %get3A_14 {offsets = [12], sizes = [1], strides = [1]} : vector<16xf32> to vector<1xf32>
    %squeeze3A_49 = vector.extract %slice3A_48[0] : f32 from vector<1xf32>
    %add3A_50 = arith.addf %add3A_47, %squeeze3A_49 : f32
    %slice3A_51 = vector.extract_strided_slice %get3A_14 {offsets = [13], sizes = [1], strides = [1]} : vector<16xf32> to vector<1xf32>
    %squeeze3A_52 = vector.extract %slice3A_51[0] : f32 from vector<1xf32>
    %add3A_53 = arith.addf %add3A_50, %squeeze3A_52 : f32
    %slice3A_54 = vector.extract_strided_slice %get3A_14 {offsets = [14], sizes = [1], strides = [1]} : vector<16xf32> to vector<1xf32>
    %squeeze3A_55 = vector.extract %slice3A_54[0] : f32 from vector<1xf32>
    %add3A_56 = arith.addf %add3A_53, %squeeze3A_55 : f32
    %slice3A_57 = vector.extract_strided_slice %get3A_14 {offsets = [15], sizes = [1], strides = [1]} : vector<16xf32> to vector<1xf32>
    %squeeze3A_58 = vector.extract %slice3A_57[0] : f32 from vector<1xf32>
    %add3A_59 = arith.addf %add3A_56, %squeeze3A_58 : f32
    %get3A_60 = arith.constant 0 : index
    %get3A_61 = tpu.vector_load %arg9[%get3A_60] {strides = array<i32>} : memref<512xf32, #tpu.memory_space<vmem>>, vector<16xf32>,
    %get3A_62 = arith.constant 32 : index
    %get3A_63 = tpu.vector_load %arg9[%get3A_62] {strides = array<i32>} : memref<512xf32, #tpu.memory_space<vmem>>, vector<16xf32>,
    %add3A_64 = arith.addf %get3A_61, %get3A_63 : vector<16xf32>
    %get3A_65 = arith.constant 64 : index
    %get3A_66 = tpu.vector_load %arg9[%get3A_65] {strides = array<i32>} : memref<512xf32, #tpu.memory_space<vmem>>, vector<16xf32>,
    %add3A_67 = arith.addf %add3A_64, %get3A_66 : vector<16xf32>
    %get3A_68 = arith.constant 96 : index
    %get3A_69 = tpu.vector_load %arg9[%get3A_68] {strides = array<i32>} : memref<512xf32, #tpu.memory_space<vmem>>, vector<16xf32>,
    %add3A_70 = arith.addf %add3A_67, %get3A_69 : vector<16xf32>
    %get3A_71 = arith.constant 128 : index
    %get3A_72 = tpu.vector_load %arg9[%get3A_71] {strides = array<i32>} : memref<512xf32, #tpu.memory_space<vmem>>, vector<16xf32>,
    %add3A_73 = arith.addf %add3A_70, %get3A_72 : vector<16xf32>
    %get3A_74 = arith.constant 160 : index
    %get3A_75 = tpu.vector_load %arg9[%get3A_74] {strides = array<i32>} : memref<512xf32, #tpu.memory_space<vmem>>, vector<16xf32>,
    %add3A_76 = arith.addf %add3A_73, %get3A_75 : vector<16xf32>
    %get3A_77 = arith.constant 192 : index
    %get3A_78 = tpu.vector_load %arg9[%get3A_77] {strides = array<i32>} : memref<512xf32, #tpu.memory_space<vmem>>, vector<16xf32>,
    %add3A_79 = arith.addf %add3A_76, %get3A_78 : vector<16xf32>
    %get3A_80 = arith.constant 224 : index
    %get3A_81 = tpu.vector_load %arg9[%get3A_80] {strides = array<i32>} : memref<512xf32, #tpu.memory_space<vmem>>, vector<16xf32>,
    %add3A_82 = arith.addf %add3A_79, %get3A_81 : vector<16xf32>
    %get3A_83 = arith.constant 256 : index
    %get3A_84 = tpu.vector_load %arg9[%get3A_83] {strides = array<i32>} : memref<512xf32, #tpu.memory_space<vmem>>, vector<16xf32>,
    %add3A_85 = arith.addf %add3A_82, %get3A_84 : vector<16xf32>
    %get3A_86 = arith.constant 288 : index
    %get3A_87 = tpu.vector_load %arg9[%get3A_86] {strides = array<i32>} : memref<512xf32, #tpu.memory_space<vmem>>, vector<16xf32>,
    %add3A_88 = arith.addf %add3A_85, %get3A_87 : vector<16xf32>
    %get3A_89 = arith.constant 320 : index
    %get3A_90 = tpu.vector_load %arg9[%get3A_89] {strides = array<i32>} : memref<512xf32, #tpu.memory_space<vmem>>, vector<16xf32>,
    %add3A_91 = arith.addf %add3A_88, %get3A_90 : vector<16xf32>
    %get3A_92 = arith.constant 352 : index
    %get3A_93 = tpu.vector_load %arg9[%get3A_92] {strides = array<i32>} : memref<512xf32, #tpu.memory_space<vmem>>, vector<16xf32>,
    %add3A_94 = arith.addf %add3A_91, %get3A_93 : vector<16xf32>
    %get3A_95 = arith.constant 384 : index
    %get3A_96 = tpu.vector_load %arg9[%get3A_95] {strides = array<i32>} : memref<512xf32, #tpu.memory_space<vmem>>, vector<16xf32>,
    %add3A_97 = arith.addf %add3A_94, %get3A_96 : vector<16xf32>
    %get3A_98 = arith.constant 416 : index
    %get3A_99 = tpu.vector_load %arg9[%get3A_98] {strides = array<i32>} : memref<512xf32, #tpu.memory_space<vmem>>, vector<16xf32>,
    %add3A_100 = arith.addf %add3A_97, %get3A_99 : vector<16xf32>
    %get3A_101 = arith.constant 448 : index
    %get3A_102 = tpu.vector_load %arg9[%get3A_101] {strides = array<i32>} : memref<512xf32, #tpu.memory_space<vmem>>, vector<16xf32>,
    %add3A_103 = arith.addf %add3A_100, %get3A_102 : vector<16xf32>
    %get3A_104 = arith.constant 480 : index
    %get3A_105 = tpu.vector_load %arg9[%get3A_104] {strides = array<i32>} : memref<512xf32, #tpu.memory_space<vmem>>, vector<16xf32>,
    %add3A_106 = arith.addf %add3A_103, %get3A_105 : vector<16xf32>
    %slice3A_107 = vector.extract_strided_slice %add3A_106 {offsets = [0], sizes = [1], strides = [1]} : vector<16xf32> to vector<1xf32>
    %squeeze3A_108 = vector.extract %slice3A_107[0] : f32 from vector<1xf32>
    %slice3A_109 = vector.extract_strided_slice %add3A_106 {offsets = [1], sizes = [1], strides = [1]} : vector<16xf32> to vector<1xf32>
    %squeeze3A_110 = vector.extract %slice3A_109[0] : f32 from vector<1xf32>
    %slice3A_111 = vector.extract_strided_slice %add3A_106 {offsets = [2], sizes = [1], strides = [1]} : vector<16xf32> to vector<1xf32>
    %squeeze3A_112 = vector.extract %slice3A_111[0] : f32 from vector<1xf32>
    %slice3A_113 = vector.extract_strided_slice %add3A_106 {offsets = [3], sizes = [1], strides = [1]} : vector<16xf32> to vector<1xf32>
    %squeeze3A_114 = vector.extract %slice3A_113[0] : f32 from vector<1xf32>
    %slice3A_115 = vector.extract_strided_slice %add3A_106 {offsets = [4], sizes = [1], strides = [1]} : vector<16xf32> to vector<1xf32>
    %squeeze3A_116 = vector.extract %slice3A_115[0] : f32 from vector<1xf32>
    %slice3A_117 = vector.extract_strided_slice %add3A_106 {offsets = [5], sizes = [1], strides = [1]} : vector<16xf32> to vector<1xf32>
    %squeeze3A_118 = vector.extract %slice3A_117[0] : f32 from vector<1xf32>
    %slice3A_119 = vector.extract_strided_slice %add3A_106 {offsets = [6], sizes = [1], strides = [1]} : vector<16xf32> to vector<1xf32>
    %squeeze3A_120 = vector.extract %slice3A_119[0] : f32 from vector<1xf32>
    %slice3A_121 = vector.extract_strided_slice %add3A_106 {offsets = [7], sizes = [1], strides = [1]} : vector<16xf32> to vector<1xf32>
    %squeeze3A_122 = vector.extract %slice3A_121[0] : f32 from vector<1xf32>
    %slice3A_123 = vector.extract_strided_slice %add3A_106 {offsets = [8], sizes = [1], strides = [1]} : vector<16xf32> to vector<1xf32>
    %squeeze3A_124 = vector.extract %slice3A_123[0] : f32 from vector<1xf32>
    %slice3A_125 = vector.extract_strided_slice %add3A_106 {offsets = [9], sizes = [1], strides = [1]} : vector<16xf32> to vector<1xf32>
    %squeeze3A_126 = vector.extract %slice3A_125[0] : f32 from vector<1xf32>
    %slice3A_127 = vector.extract_strided_slice %add3A_106 {offsets = [10], sizes = [1], strides = [1]} : vector<16xf32> to vector<1xf32>
    %squeeze3A_128 = vector.extract %slice3A_127[0] : f32 from vector<1xf32>
    %slice3A_129 = vector.extract_strided_slice %add3A_106 {offsets = [11], sizes = [1], strides = [1]} : vector<16xf32> to vector<1xf32>
    %squeeze3A_130 = vector.extract %slice3A_129[0] : f32 from vector<1xf32>
    %slice3A_131 = vector.extract_strided_slice %add3A_106 {offsets = [12], sizes = [1], strides = [1]} : vector<16xf32> to vector<1xf32>
    %squeeze3A_132 = vector.extract %slice3A_131[0] : f32 from vector<1xf32>
    %slice3A_133 = vector.extract_strided_slice %add3A_106 {offsets = [13], sizes = [1], strides = [1]} : vector<16xf32> to vector<1xf32>
    %squeeze3A_134 = vector.extract %slice3A_133[0] : f32 from vector<1xf32>
    %slice3A_135 = vector.extract_strided_slice %add3A_106 {offsets = [14], sizes = [1], strides = [1]} : vector<16xf32> to vector<1xf32>
    %squeeze3A_136 = vector.extract %slice3A_135[0] : f32 from vector<1xf32>
    %slice3A_137 = vector.extract_strided_slice %add3A_106 {offsets = [15], sizes = [1], strides = [1]} : vector<16xf32> to vector<1xf32>
    %squeeze3A_138 = vector.extract %slice3A_137[0] : f32 from vector<1xf32>
    %get3A_139 = arith.constant 16 : index
    %get3A_140 = tpu.vector_load %arg9[%get3A_139] {strides = array<i32>} : memref<512xf32, #tpu.memory_space<vmem>>, vector<16xf32>,
    %get3A_141 = arith.constant 48 : index
    %get3A_142 = tpu.vector_load %arg9[%get3A_141] {strides = array<i32>} : memref<512xf32, #tpu.memory_space<vmem>>, vector<16xf32>,
    %add3A_143 = arith.addf %get3A_140, %get3A_142 : vector<16xf32>
    %get3A_144 = arith.constant 80 : index
    %get3A_145 = tpu.vector_load %arg9[%get3A_144] {strides = array<i32>} : memref<512xf32, #tpu.memory_space<vmem>>, vector<16xf32>,
    %add3A_146 = arith.addf %add3A_143, %get3A_145 : vector<16xf32>
    %get3A_147 = arith.constant 112 : index
    %get3A_148 = tpu.vector_load %arg9[%get3A_147] {strides = array<i32>} : memref<512xf32, #tpu.memory_space<vmem>>, vector<16xf32>,
    %add3A_149 = arith.addf %add3A_146, %get3A_148 : vector<16xf32>
    %get3A_150 = arith.constant 144 : index
    %get3A_151 = tpu.vector_load %arg9[%get3A_150] {strides = array<i32>} : memref<512xf32, #tpu.memory_space<vmem>>, vector<16xf32>,
    %add3A_152 = arith.addf %add3A_149, %get3A_151 : vector<16xf32>
    %get3A_153 = arith.constant 176 : index
    %get3A_154 = tpu.vector_load %arg9[%get3A_153] {strides = array<i32>} : memref<512xf32, #tpu.memory_space<vmem>>, vector<16xf32>,
    %add3A_155 = arith.addf %add3A_152, %get3A_154 : vector<16xf32>
    %get3A_156 = arith.constant 208 : index
    %get3A_157 = tpu.vector_load %arg9[%get3A_156] {strides = array<i32>} : memref<512xf32, #tpu.memory_space<vmem>>, vector<16xf32>,
    %add3A_158 = arith.addf %add3A_155, %get3A_157 : vector<16xf32>
    %get3A_159 = arith.constant 240 : index
    %get3A_160 = tpu.vector_load %arg9[%get3A_159] {strides = array<i32>} : memref<512xf32, #tpu.memory_space<vmem>>, vector<16xf32>,
    %add3A_161 = arith.addf %add3A_158, %get3A_160 : vector<16xf32>
    %get3A_162 = arith.constant 272 : index
    %get3A_163 = tpu.vector_load %arg9[%get3A_162] {strides = array<i32>} : memref<512xf32, #tpu.memory_space<vmem>>, vector<16xf32>,
    %add3A_164 = arith.addf %add3A_161, %get3A_163 : vector<16xf32>
    %get3A_165 = arith.constant 304 : index
    %get3A_166 = tpu.vector_load %arg9[%get3A_165] {strides = array<i32>} : memref<512xf32, #tpu.memory_space<vmem>>, vector<16xf32>,
    %add3A_167 = arith.addf %add3A_164, %get3A_166 : vector<16xf32>
    %get3A_168 = arith.constant 336 : index
    %get3A_169 = tpu.vector_load %arg9[%get3A_168] {strides = array<i32>} : memref<512xf32, #tpu.memory_space<vmem>>, vector<16xf32>,
    %add3A_170 = arith.addf %add3A_167, %get3A_169 : vector<16xf32>
    %get3A_171 = arith.constant 368 : index
    %get3A_172 = tpu.vector_load %arg9[%get3A_171] {strides = array<i32>} : memref<512xf32, #tpu.memory_space<vmem>>, vector<16xf32>,
    %add3A_173 = arith.addf %add3A_170, %get3A_172 : vector<16xf32>
    %get3A_174 = arith.constant 400 : index
    %get3A_175 = tpu.vector_load %arg9[%get3A_174] {strides = array<i32>} : memref<512xf32, #tpu.memory_space<vmem>>, vector<16xf32>,
    %add3A_176 = arith.addf %add3A_173, %get3A_175 : vector<16xf32>
    %get3A_177 = arith.constant 432 : index
    %get3A_178 = tpu.vector_load %arg9[%get3A_177] {strides = array<i32>} : memref<512xf32, #tpu.memory_space<vmem>>, vector<16xf32>,
    %add3A_179 = arith.addf %add3A_176, %get3A_178 : vector<16xf32>
    %get3A_180 = arith.constant 464 : index
    %get3A_181 = tpu.vector_load %arg9[%get3A_180] {strides = array<i32>} : memref<512xf32, #tpu.memory_space<vmem>>, vector<16xf32>,
    %add3A_182 = arith.addf %add3A_179, %get3A_181 : vector<16xf32>
    %get3A_183 = arith.constant 496 : index
    %get3A_184 = tpu.vector_load %arg9[%get3A_183] {strides = array<i32>} : memref<512xf32, #tpu.memory_space<vmem>>, vector<16xf32>,
    %add3A_185 = arith.addf %add3A_182, %get3A_184 : vector<16xf32>
    %slice3A_186 = vector.extract_strided_slice %add3A_185 {offsets = [0], sizes = [1], strides = [1]} : vector<16xf32> to vector<1xf32>
    %squeeze3A_187 = vector.extract %slice3A_186[0] : f32 from vector<1xf32>
    %slice3A_188 = vector.extract_strided_slice %add3A_185 {offsets = [1], sizes = [1], strides = [1]} : vector<16xf32> to vector<1xf32>
    %squeeze3A_189 = vector.extract %slice3A_188[0] : f32 from vector<1xf32>
    %slice3A_190 = vector.extract_strided_slice %add3A_185 {offsets = [2], sizes = [1], strides = [1]} : vector<16xf32> to vector<1xf32>
    %squeeze3A_191 = vector.extract %slice3A_190[0] : f32 from vector<1xf32>
    %slice3A_192 = vector.extract_strided_slice %add3A_185 {offsets = [3], sizes = [1], strides = [1]} : vector<16xf32> to vector<1xf32>
    %squeeze3A_193 = vector.extract %slice3A_192[0] : f32 from vector<1xf32>
    %slice3A_194 = vector.extract_strided_slice %add3A_185 {offsets = [4], sizes = [1], strides = [1]} : vector<16xf32> to vector<1xf32>
    %squeeze3A_195 = vector.extract %slice3A_194[0] : f32 from vector<1xf32>
    %slice3A_196 = vector.extract_strided_slice %add3A_185 {offsets = [5], sizes = [1], strides = [1]} : vector<16xf32> to vector<1xf32>
    %squeeze3A_197 = vector.extract %slice3A_196[0] : f32 from vector<1xf32>
    %slice3A_198 = vector.extract_strided_slice %add3A_185 {offsets = [6], sizes = [1], strides = [1]} : vector<16xf32> to vector<1xf32>
    %squeeze3A_199 = vector.extract %slice3A_198[0] : f32 from vector<1xf32>
    %slice3A_200 = vector.extract_strided_slice %add3A_185 {offsets = [7], sizes = [1], strides = [1]} : vector<16xf32> to vector<1xf32>
    %squeeze3A_201 = vector.extract %slice3A_200[0] : f32 from vector<1xf32>
    %slice3A_202 = vector.extract_strided_slice %add3A_185 {offsets = [8], sizes = [1], strides = [1]} : vector<16xf32> to vector<1xf32>
    %squeeze3A_203 = vector.extract %slice3A_202[0] : f32 from vector<1xf32>
    %slice3A_204 = vector.extract_strided_slice %add3A_185 {offsets = [9], sizes = [1], strides = [1]} : vector<16xf32> to vector<1xf32>
    %squeeze3A_205 = vector.extract %slice3A_204[0] : f32 from vector<1xf32>
    %slice3A_206 = vector.extract_strided_slice %add3A_185 {offsets = [10], sizes = [1], strides = [1]} : vector<16xf32> to vector<1xf32>
    %squeeze3A_207 = vector.extract %slice3A_206[0] : f32 from vector<1xf32>
    %slice3A_208 = vector.extract_strided_slice %add3A_185 {offsets = [11], sizes = [1], strides = [1]} : vector<16xf32> to vector<1xf32>
    %squeeze3A_209 = vector.extract %slice3A_208[0] : f32 from vector<1xf32>
    %slice3A_210 = vector.extract_strided_slice %add3A_185 {offsets = [12], sizes = [1], strides = [1]} : vector<16xf32> to vector<1xf32>
    %squeeze3A_211 = vector.extract %slice3A_210[0] : f32 from vector<1xf32>
    %slice3A_212 = vector.extract_strided_slice %add3A_185 {offsets = [13], sizes = [1], strides = [1]} : vector<16xf32> to vector<1xf32>
    %squeeze3A_213 = vector.extract %slice3A_212[0] : f32 from vector<1xf32>
    %slice3A_214 = vector.extract_strided_slice %add3A_185 {offsets = [14], sizes = [1], strides = [1]} : vector<16xf32> to vector<1xf32>
    %squeeze3A_215 = vector.extract %slice3A_214[0] : f32 from vector<1xf32>
    %slice3A_216 = vector.extract_strided_slice %add3A_185 {offsets = [15], sizes = [1], strides = [1]} : vector<16xf32> to vector<1xf32>
    %squeeze3A_217 = vector.extract %slice3A_216[0] : f32 from vector<1xf32>
    %broadcast_in_dim3A = vector.broadcast %squeeze3A_108 : f32 to vector<16xf32>
    %broadcast_in_dim3A_218 = vector.broadcast %squeeze3A_110 : f32 to vector<16xf32>
    %broadcast_in_dim3A_219 = vector.broadcast %squeeze3A_112 : f32 to vector<16xf32>
    %broadcast_in_dim3A_220 = vector.broadcast %squeeze3A_114 : f32 to vector<16xf32>
    %broadcast_in_dim3A_221 = vector.broadcast %squeeze3A_116 : f32 to vector<16xf32>
    %broadcast_in_dim3A_222 = vector.broadcast %squeeze3A_118 : f32 to vector<16xf32>
    %broadcast_in_dim3A_223 = vector.broadcast %squeeze3A_120 : f32 to vector<16xf32>
    %broadcast_in_dim3A_224 = vector.broadcast %squeeze3A_122 : f32 to vector<16xf32>
    %broadcast_in_dim3A_225 = vector.broadcast %squeeze3A_124 : f32 to vector<16xf32>
    %broadcast_in_dim3A_226 = vector.broadcast %squeeze3A_126 : f32 to vector<16xf32>
    %broadcast_in_dim3A_227 = vector.broadcast %squeeze3A_128 : f32 to vector<16xf32>
    %broadcast_in_dim3A_228 = vector.broadcast %squeeze3A_130 : f32 to vector<16xf32>
    %broadcast_in_dim3A_229 = vector.broadcast %squeeze3A_132 : f32 to vector<16xf32>
    %broadcast_in_dim3A_230 = vector.broadcast %squeeze3A_134 : f32 to vector<16xf32>
    %broadcast_in_dim3A_231 = vector.broadcast %squeeze3A_136 : f32 to vector<16xf32>
    %broadcast_in_dim3A_232 = vector.broadcast %squeeze3A_138 : f32 to vector<16xf32>
    %broadcast_in_dim3A_233 = vector.broadcast %squeeze3A_187 : f32 to vector<16xf32>
    %broadcast_in_dim3A_234 = vector.broadcast %squeeze3A_189 : f32 to vector<16xf32>
    %broadcast_in_dim3A_235 = vector.broadcast %squeeze3A_191 : f32 to vector<16xf32>
    %broadcast_in_dim3A_236 = vector.broadcast %squeeze3A_193 : f32 to vector<16xf32>
    %broadcast_in_dim3A_237 = vector.broadcast %squeeze3A_195 : f32 to vector<16xf32>
    %broadcast_in_dim3A_238 = vector.broadcast %squeeze3A_197 : f32 to vector<16xf32>
    %broadcast_in_dim3A_239 = vector.broadcast %squeeze3A_199 : f32 to vector<16xf32>
    %broadcast_in_dim3A_240 = vector.broadcast %squeeze3A_201 : f32 to vector<16xf32>
    %broadcast_in_dim3A_241 = vector.broadcast %squeeze3A_203 : f32 to vector<16xf32>
    %broadcast_in_dim3A_242 = vector.broadcast %squeeze3A_205 : f32 to vector<16xf32>
    %broadcast_in_dim3A_243 = vector.broadcast %squeeze3A_207 : f32 to vector<16xf32>
    %broadcast_in_dim3A_244 = vector.broadcast %squeeze3A_209 : f32 to vector<16xf32>
    %broadcast_in_dim3A_245 = vector.broadcast %squeeze3A_211 : f32 to vector<16xf32>
    %broadcast_in_dim3A_246 = vector.broadcast %squeeze3A_213 : f32 to vector<16xf32>
    %broadcast_in_dim3A_247 = vector.broadcast %squeeze3A_215 : f32 to vector<16xf32>
    %broadcast_in_dim3A_248 = vector.broadcast %squeeze3A_217 : f32 to vector<16xf32>
    %broadcast_in_dim3A_249 = vector.broadcast %add3A_59 : f32 to vector<16xf32>
    %scan3A = arith.constant 0 : i32
    %scan3A_250 = arith.constant 0 : i32
    %scan3A_251 = arith.constant 9 : i32
    %scan3A_252 = arith.addi %scan3A_250, %scan3A_251 : i32
    %scan3A_253 = arith.constant 1 : i32
    scf.for %scan3A_255 = %scan3A_250 to %scan3A_252 step %scan3A_253  : i32 {
      %mul3A_256 = arith.constant 2 : i32
      %mul3A_257 = arith.muli %scan3A_255, %mul3A_256 : i32
      %add3A_258 = arith.constant 0 : i32
      %add3A_259 = arith.addi %mul3A_257, %add3A_258 : i32
      %mul3A_260 = arith.constant 1024 : i32
      %mul3A_261 = arith.muli %add3A_259, %mul3A_260 : i32
      %add3A_262 = arith.addi %mul3A_2, %mul3A_261 : i32
      %dma_wait3A = arith.constant 0 : i32
      %dma_wait3A_263 = tpu.memref_slice %arg2[%dma_wait3A, %add3A_262] : memref<32x1048576xf32, #tpu.memory_space<hbm>> -> memref<32x1024xf32, #tpu.memory_space<hbm>>
      %dma_wait3A_264 = arith.constant 0 : i32
      %dma_wait3A_265 = tpu.memref_slice %arg2[%dma_wait3A_264, %add3A_262] : memref<32x1048576xf32, #tpu.memory_space<hbm>> -> memref<32x1024xf32, #tpu.memory_space<hbm>>
      tpu.wait_dma2 semaphore(%arg11 : memref<!tpu.dma_semaphore, #tpu.memory_space<semaphore_mem>>) src(%dma_wait3A_265 : memref<32x1024xf32, #tpu.memory_space<hbm>>) dst(%arg6 : memref<32x1024xf32, #tpu.memory_space<vmem>>)
      %parallel_loop3A = arith.constant 0 : i32
      %parallel_loop3A_266 = arith.constant 64 : i32
      %parallel_loop3A_267 = arith.constant 1 : i32
      scf.for %parallel_loop3A_289 = %parallel_loop3A to %parallel_loop3A_266 step %parallel_loop3A_267  : i32 {
        %parallel_loop3A_290 = arith.constant 16 : i32
        %parallel_loop3A_291 = arith.muli %parallel_loop3A_289, %parallel_loop3A_290 : i32
        %parallel_loop3A_292 = arith.constant 0 : i32
        %parallel_loop3A_293 = arith.index_cast %parallel_loop3A_292 : i32 to index
        %parallel_loop3A_294 = arith.index_cast %parallel_loop3A_291 : i32 to index
        %parallel_loop3A_295 = tpu.vector_load %arg6[%parallel_loop3A_293, %parallel_loop3A_294] {strides = array<i32>} : memref<32x1024xf32, #tpu.memory_space<vmem>>, vector<16xf32>,
        %parallel_loop3A_296 = arith.mulf %parallel_loop3A_295, %broadcast_in_dim3A : vector<16xf32>
        %parallel_loop3A_297 = arith.constant 1 : i32
        %parallel_loop3A_298 = arith.index_cast %parallel_loop3A_297 : i32 to index
        %parallel_loop3A_299 = arith.index_cast %parallel_loop3A_291 : i32 to index
        %parallel_loop3A_300 = tpu.vector_load %arg6[%parallel_loop3A_298, %parallel_loop3A_299] {strides = array<i32>} : memref<32x1024xf32, #tpu.memory_space<vmem>>, vector<16xf32>,
        %parallel_loop3A_301 = arith.mulf %parallel_loop3A_300, %broadcast_in_dim3A_218 : vector<16xf32>
        %parallel_loop3A_302 = arith.constant 2 : i32
        %parallel_loop3A_303 = arith.index_cast %parallel_loop3A_302 : i32 to index
        %parallel_loop3A_304 = arith.index_cast %parallel_loop3A_291 : i32 to index
        %parallel_loop3A_305 = tpu.vector_load %arg6[%parallel_loop3A_303, %parallel_loop3A_304] {strides = array<i32>} : memref<32x1024xf32, #tpu.memory_space<vmem>>, vector<16xf32>,
        %parallel_loop3A_306 = arith.mulf %parallel_loop3A_305, %broadcast_in_dim3A_219 : vector<16xf32>
        %parallel_loop3A_307 = arith.constant 3 : i32
        %parallel_loop3A_308 = arith.index_cast %parallel_loop3A_307 : i32 to index
        %parallel_loop3A_309 = arith.index_cast %parallel_loop3A_291 : i32 to index
        %parallel_loop3A_310 = tpu.vector_load %arg6[%parallel_loop3A_308, %parallel_loop3A_309] {strides = array<i32>} : memref<32x1024xf32, #tpu.memory_space<vmem>>, vector<16xf32>,
        %parallel_loop3A_311 = arith.mulf %parallel_loop3A_310, %broadcast_in_dim3A_220 : vector<16xf32>
        %parallel_loop3A_312 = arith.constant 4 : i32
        %parallel_loop3A_313 = arith.index_cast %parallel_loop3A_312 : i32 to index
        %parallel_loop3A_314 = arith.index_cast %parallel_loop3A_291 : i32 to index
        %parallel_loop3A_315 = tpu.vector_load %arg6[%parallel_loop3A_313, %parallel_loop3A_314] {strides = array<i32>} : memref<32x1024xf32, #tpu.memory_space<vmem>>, vector<16xf32>,
        %parallel_loop3A_316 = arith.mulf %parallel_loop3A_315, %broadcast_in_dim3A_221 : vector<16xf32>
        %parallel_loop3A_317 = arith.addf %parallel_loop3A_296, %parallel_loop3A_316 : vector<16xf32>
        %parallel_loop3A_318 = arith.constant 5 : i32
        %parallel_loop3A_319 = arith.index_cast %parallel_loop3A_318 : i32 to index
        %parallel_loop3A_320 = arith.index_cast %parallel_loop3A_291 : i32 to index
        %parallel_loop3A_321 = tpu.vector_load %arg6[%parallel_loop3A_319, %parallel_loop3A_320] {strides = array<i32>} : memref<32x1024xf32, #tpu.memory_space<vmem>>, vector<16xf32>,
        %parallel_loop3A_322 = arith.mulf %parallel_loop3A_321, %broadcast_in_dim3A_222 : vector<16xf32>
        %parallel_loop3A_323 = arith.addf %parallel_loop3A_301, %parallel_loop3A_322 : vector<16xf32>
        %parallel_loop3A_324 = arith.constant 6 : i32
        %parallel_loop3A_325 = arith.index_cast %parallel_loop3A_324 : i32 to index
        %parallel_loop3A_326 = arith.index_cast %parallel_loop3A_291 : i32 to index
        %parallel_loop3A_327 = tpu.vector_load %arg6[%parallel_loop3A_325, %parallel_loop3A_326] {strides = array<i32>} : memref<32x1024xf32, #tpu.memory_space<vmem>>, vector<16xf32>,
        %parallel_loop3A_328 = arith.mulf %parallel_loop3A_327, %broadcast_in_dim3A_223 : vector<16xf32>
        %parallel_loop3A_329 = arith.addf %parallel_loop3A_306, %parallel_loop3A_328 : vector<16xf32>
        %parallel_loop3A_330 = arith.constant 7 : i32
        %parallel_loop3A_331 = arith.index_cast %parallel_loop3A_330 : i32 to index
        %parallel_loop3A_332 = arith.index_cast %parallel_loop3A_291 : i32 to index
        %parallel_loop3A_333 = tpu.vector_load %arg6[%parallel_loop3A_331, %parallel_loop3A_332] {strides = array<i32>} : memref<32x1024xf32, #tpu.memory_space<vmem>>, vector<16xf32>,
        %parallel_loop3A_334 = arith.mulf %parallel_loop3A_333, %broadcast_in_dim3A_224 : vector<16xf32>
        %parallel_loop3A_335 = arith.addf %parallel_loop3A_311, %parallel_loop3A_334 : vector<16xf32>
        %parallel_loop3A_336 = arith.constant 8 : i32
        %parallel_loop3A_337 = arith.index_cast %parallel_loop3A_336 : i32 to index
        %parallel_loop3A_338 = arith.index_cast %parallel_loop3A_291 : i32 to index
        %parallel_loop3A_339 = tpu.vector_load %arg6[%parallel_loop3A_337, %parallel_loop3A_338] {strides = array<i32>} : memref<32x1024xf32, #tpu.memory_space<vmem>>, vector<16xf32>,
        %parallel_loop3A_340 = arith.mulf %parallel_loop3A_339, %broadcast_in_dim3A_225 : vector<16xf32>
        %parallel_loop3A_341 = arith.addf %parallel_loop3A_317, %parallel_loop3A_340 : vector<16xf32>
        %parallel_loop3A_342 = arith.constant 9 : i32
        %parallel_loop3A_343 = arith.index_cast %parallel_loop3A_342 : i32 to index
        %parallel_loop3A_344 = arith.index_cast %parallel_loop3A_291 : i32 to index
        %parallel_loop3A_345 = tpu.vector_load %arg6[%parallel_loop3A_343, %parallel_loop3A_344] {strides = array<i32>} : memref<32x1024xf32, #tpu.memory_space<vmem>>, vector<16xf32>,
        %parallel_loop3A_346 = arith.mulf %parallel_loop3A_345, %broadcast_in_dim3A_226 : vector<16xf32>
        %parallel_loop3A_347 = arith.addf %parallel_loop3A_323, %parallel_loop3A_346 : vector<16xf32>
        %parallel_loop3A_348 = arith.constant 10 : i32
        %parallel_loop3A_349 = arith.index_cast %parallel_loop3A_348 : i32 to index
        %parallel_loop3A_350 = arith.index_cast %parallel_loop3A_291 : i32 to index
        %parallel_loop3A_351 = tpu.vector_load %arg6[%parallel_loop3A_349, %parallel_loop3A_350] {strides = array<i32>} : memref<32x1024xf32, #tpu.memory_space<vmem>>, vector<16xf32>,
        %parallel_loop3A_352 = arith.mulf %parallel_loop3A_351, %broadcast_in_dim3A_227 : vector<16xf32>
        %parallel_loop3A_353 = arith.addf %parallel_loop3A_329, %parallel_loop3A_352 : vector<16xf32>
        %parallel_loop3A_354 = arith.constant 11 : i32
        %parallel_loop3A_355 = arith.index_cast %parallel_loop3A_354 : i32 to index
        %parallel_loop3A_356 = arith.index_cast %parallel_loop3A_291 : i32 to index
        %parallel_loop3A_357 = tpu.vector_load %arg6[%parallel_loop3A_355, %parallel_loop3A_356] {strides = array<i32>} : memref<32x1024xf32, #tpu.memory_space<vmem>>, vector<16xf32>,
        %parallel_loop3A_358 = arith.mulf %parallel_loop3A_357, %broadcast_in_dim3A_228 : vector<16xf32>
        %parallel_loop3A_359 = arith.addf %parallel_loop3A_335, %parallel_loop3A_358 : vector<16xf32>
        %parallel_loop3A_360 = arith.constant 12 : i32
        %parallel_loop3A_361 = arith.index_cast %parallel_loop3A_360 : i32 to index
        %parallel_loop3A_362 = arith.index_cast %parallel_loop3A_291 : i32 to index
        %parallel_loop3A_363 = tpu.vector_load %arg6[%parallel_loop3A_361, %parallel_loop3A_362] {strides = array<i32>} : memref<32x1024xf32, #tpu.memory_space<vmem>>, vector<16xf32>,
        %parallel_loop3A_364 = arith.mulf %parallel_loop3A_363, %broadcast_in_dim3A_229 : vector<16xf32>
        %parallel_loop3A_365 = arith.addf %parallel_loop3A_341, %parallel_loop3A_364 : vector<16xf32>
        %parallel_loop3A_366 = arith.constant 13 : i32
        %parallel_loop3A_367 = arith.index_cast %parallel_loop3A_366 : i32 to index
        %parallel_loop3A_368 = arith.index_cast %parallel_loop3A_291 : i32 to index
        %parallel_loop3A_369 = tpu.vector_load %arg6[%parallel_loop3A_367, %parallel_loop3A_368] {strides = array<i32>} : memref<32x1024xf32, #tpu.memory_space<vmem>>, vector<16xf32>,
        %parallel_loop3A_370 = arith.mulf %parallel_loop3A_369, %broadcast_in_dim3A_230 : vector<16xf32>
        %parallel_loop3A_371 = arith.addf %parallel_loop3A_347, %parallel_loop3A_370 : vector<16xf32>
        %parallel_loop3A_372 = arith.constant 14 : i32
        %parallel_loop3A_373 = arith.index_cast %parallel_loop3A_372 : i32 to index
        %parallel_loop3A_374 = arith.index_cast %parallel_loop3A_291 : i32 to index
        %parallel_loop3A_375 = tpu.vector_load %arg6[%parallel_loop3A_373, %parallel_loop3A_374] {strides = array<i32>} : memref<32x1024xf32, #tpu.memory_space<vmem>>, vector<16xf32>,
        %parallel_loop3A_376 = arith.mulf %parallel_loop3A_375, %broadcast_in_dim3A_231 : vector<16xf32>
        %parallel_loop3A_377 = arith.addf %parallel_loop3A_353, %parallel_loop3A_376 : vector<16xf32>
        %parallel_loop3A_378 = arith.constant 15 : i32
        %parallel_loop3A_379 = arith.index_cast %parallel_loop3A_378 : i32 to index
        %parallel_loop3A_380 = arith.index_cast %parallel_loop3A_291 : i32 to index
        %parallel_loop3A_381 = tpu.vector_load %arg6[%parallel_loop3A_379, %parallel_loop3A_380] {strides = array<i32>} : memref<32x1024xf32, #tpu.memory_space<vmem>>, vector<16xf32>,
        %parallel_loop3A_382 = arith.mulf %parallel_loop3A_381, %broadcast_in_dim3A_232 : vector<16xf32>
        %parallel_loop3A_383 = arith.addf %parallel_loop3A_359, %parallel_loop3A_382 : vector<16xf32>
        %parallel_loop3A_384 = arith.constant 16 : i32
        %parallel_loop3A_385 = arith.index_cast %parallel_loop3A_384 : i32 to index
        %parallel_loop3A_386 = arith.index_cast %parallel_loop3A_291 : i32 to index
        %parallel_loop3A_387 = tpu.vector_load %arg6[%parallel_loop3A_385, %parallel_loop3A_386] {strides = array<i32>} : memref<32x1024xf32, #tpu.memory_space<vmem>>, vector<16xf32>,
        %parallel_loop3A_388 = arith.mulf %parallel_loop3A_387, %broadcast_in_dim3A_233 : vector<16xf32>
        %parallel_loop3A_389 = arith.addf %parallel_loop3A_365, %parallel_loop3A_388 : vector<16xf32>
        %parallel_loop3A_390 = arith.constant 17 : i32
        %parallel_loop3A_391 = arith.index_cast %parallel_loop3A_390 : i32 to index
        %parallel_loop3A_392 = arith.index_cast %parallel_loop3A_291 : i32 to index
        %parallel_loop3A_393 = tpu.vector_load %arg6[%parallel_loop3A_391, %parallel_loop3A_392] {strides = array<i32>} : memref<32x1024xf32, #tpu.memory_space<vmem>>, vector<16xf32>,
        %parallel_loop3A_394 = arith.mulf %parallel_loop3A_393, %broadcast_in_dim3A_234 : vector<16xf32>
        %parallel_loop3A_395 = arith.addf %parallel_loop3A_371, %parallel_loop3A_394 : vector<16xf32>
        %parallel_loop3A_396 = arith.constant 18 : i32
        %parallel_loop3A_397 = arith.index_cast %parallel_loop3A_396 : i32 to index
        %parallel_loop3A_398 = arith.index_cast %parallel_loop3A_291 : i32 to index
        %parallel_loop3A_399 = tpu.vector_load %arg6[%parallel_loop3A_397, %parallel_loop3A_398] {strides = array<i32>} : memref<32x1024xf32, #tpu.memory_space<vmem>>, vector<16xf32>,
        %parallel_loop3A_400 = arith.mulf %parallel_loop3A_399, %broadcast_in_dim3A_235 : vector<16xf32>
        %parallel_loop3A_401 = arith.addf %parallel_loop3A_377, %parallel_loop3A_400 : vector<16xf32>
        %parallel_loop3A_402 = arith.constant 19 : i32
        %parallel_loop3A_403 = arith.index_cast %parallel_loop3A_402 : i32 to index
        %parallel_loop3A_404 = arith.index_cast %parallel_loop3A_291 : i32 to index
        %parallel_loop3A_405 = tpu.vector_load %arg6[%parallel_loop3A_403, %parallel_loop3A_404] {strides = array<i32>} : memref<32x1024xf32, #tpu.memory_space<vmem>>, vector<16xf32>,
        %parallel_loop3A_406 = arith.mulf %parallel_loop3A_405, %broadcast_in_dim3A_236 : vector<16xf32>
        %parallel_loop3A_407 = arith.addf %parallel_loop3A_383, %parallel_loop3A_406 : vector<16xf32>
        %parallel_loop3A_408 = arith.constant 20 : i32
        %parallel_loop3A_409 = arith.index_cast %parallel_loop3A_408 : i32 to index
        %parallel_loop3A_410 = arith.index_cast %parallel_loop3A_291 : i32 to index
        %parallel_loop3A_411 = tpu.vector_load %arg6[%parallel_loop3A_409, %parallel_loop3A_410] {strides = array<i32>} : memref<32x1024xf32, #tpu.memory_space<vmem>>, vector<16xf32>,
        %parallel_loop3A_412 = arith.mulf %parallel_loop3A_411, %broadcast_in_dim3A_237 : vector<16xf32>
        %parallel_loop3A_413 = arith.addf %parallel_loop3A_389, %parallel_loop3A_412 : vector<16xf32>
        %parallel_loop3A_414 = arith.constant 21 : i32
        %parallel_loop3A_415 = arith.index_cast %parallel_loop3A_414 : i32 to index
        %parallel_loop3A_416 = arith.index_cast %parallel_loop3A_291 : i32 to index
        %parallel_loop3A_417 = tpu.vector_load %arg6[%parallel_loop3A_415, %parallel_loop3A_416] {strides = array<i32>} : memref<32x1024xf32, #tpu.memory_space<vmem>>, vector<16xf32>,
        %parallel_loop3A_418 = arith.mulf %parallel_loop3A_417, %broadcast_in_dim3A_238 : vector<16xf32>
        %parallel_loop3A_419 = arith.addf %parallel_loop3A_395, %parallel_loop3A_418 : vector<16xf32>
        %parallel_loop3A_420 = arith.constant 22 : i32
        %parallel_loop3A_421 = arith.index_cast %parallel_loop3A_420 : i32 to index
        %parallel_loop3A_422 = arith.index_cast %parallel_loop3A_291 : i32 to index
        %parallel_loop3A_423 = tpu.vector_load %arg6[%parallel_loop3A_421, %parallel_loop3A_422] {strides = array<i32>} : memref<32x1024xf32, #tpu.memory_space<vmem>>, vector<16xf32>,
        %parallel_loop3A_424 = arith.mulf %parallel_loop3A_423, %broadcast_in_dim3A_239 : vector<16xf32>
        %parallel_loop3A_425 = arith.addf %parallel_loop3A_401, %parallel_loop3A_424 : vector<16xf32>
        %parallel_loop3A_426 = arith.constant 23 : i32
        %parallel_loop3A_427 = arith.index_cast %parallel_loop3A_426 : i32 to index
        %parallel_loop3A_428 = arith.index_cast %parallel_loop3A_291 : i32 to index
        %parallel_loop3A_429 = tpu.vector_load %arg6[%parallel_loop3A_427, %parallel_loop3A_428] {strides = array<i32>} : memref<32x1024xf32, #tpu.memory_space<vmem>>, vector<16xf32>,
        %parallel_loop3A_430 = arith.mulf %parallel_loop3A_429, %broadcast_in_dim3A_240 : vector<16xf32>
        %parallel_loop3A_431 = arith.addf %parallel_loop3A_407, %parallel_loop3A_430 : vector<16xf32>
        %parallel_loop3A_432 = arith.constant 24 : i32
        %parallel_loop3A_433 = arith.index_cast %parallel_loop3A_432 : i32 to index
        %parallel_loop3A_434 = arith.index_cast %parallel_loop3A_291 : i32 to index
        %parallel_loop3A_435 = tpu.vector_load %arg6[%parallel_loop3A_433, %parallel_loop3A_434] {strides = array<i32>} : memref<32x1024xf32, #tpu.memory_space<vmem>>, vector<16xf32>,
        %parallel_loop3A_436 = arith.mulf %parallel_loop3A_435, %broadcast_in_dim3A_241 : vector<16xf32>
        %parallel_loop3A_437 = arith.addf %parallel_loop3A_413, %parallel_loop3A_436 : vector<16xf32>
        %parallel_loop3A_438 = arith.constant 25 : i32
        %parallel_loop3A_439 = arith.index_cast %parallel_loop3A_438 : i32 to index
        %parallel_loop3A_440 = arith.index_cast %parallel_loop3A_291 : i32 to index
        %parallel_loop3A_441 = tpu.vector_load %arg6[%parallel_loop3A_439, %parallel_loop3A_440] {strides = array<i32>} : memref<32x1024xf32, #tpu.memory_space<vmem>>, vector<16xf32>,
        %parallel_loop3A_442 = arith.mulf %parallel_loop3A_441, %broadcast_in_dim3A_242 : vector<16xf32>
        %parallel_loop3A_443 = arith.addf %parallel_loop3A_419, %parallel_loop3A_442 : vector<16xf32>
        %parallel_loop3A_444 = arith.constant 26 : i32
        %parallel_loop3A_445 = arith.index_cast %parallel_loop3A_444 : i32 to index
        %parallel_loop3A_446 = arith.index_cast %parallel_loop3A_291 : i32 to index
        %parallel_loop3A_447 = tpu.vector_load %arg6[%parallel_loop3A_445, %parallel_loop3A_446] {strides = array<i32>} : memref<32x1024xf32, #tpu.memory_space<vmem>>, vector<16xf32>,
        %parallel_loop3A_448 = arith.mulf %parallel_loop3A_447, %broadcast_in_dim3A_243 : vector<16xf32>
        %parallel_loop3A_449 = arith.addf %parallel_loop3A_425, %parallel_loop3A_448 : vector<16xf32>
        %parallel_loop3A_450 = arith.constant 27 : i32
        %parallel_loop3A_451 = arith.index_cast %parallel_loop3A_450 : i32 to index
        %parallel_loop3A_452 = arith.index_cast %parallel_loop3A_291 : i32 to index
        %parallel_loop3A_453 = tpu.vector_load %arg6[%parallel_loop3A_451, %parallel_loop3A_452] {strides = array<i32>} : memref<32x1024xf32, #tpu.memory_space<vmem>>, vector<16xf32>,
        %parallel_loop3A_454 = arith.mulf %parallel_loop3A_453, %broadcast_in_dim3A_244 : vector<16xf32>
        %parallel_loop3A_455 = arith.addf %parallel_loop3A_431, %parallel_loop3A_454 : vector<16xf32>
        %parallel_loop3A_456 = arith.constant 28 : i32
        %parallel_loop3A_457 = arith.index_cast %parallel_loop3A_456 : i32 to index
        %parallel_loop3A_458 = arith.index_cast %parallel_loop3A_291 : i32 to index
        %parallel_loop3A_459 = tpu.vector_load %arg6[%parallel_loop3A_457, %parallel_loop3A_458] {strides = array<i32>} : memref<32x1024xf32, #tpu.memory_space<vmem>>, vector<16xf32>,
        %parallel_loop3A_460 = arith.mulf %parallel_loop3A_459, %broadcast_in_dim3A_245 : vector<16xf32>
        %parallel_loop3A_461 = arith.addf %parallel_loop3A_437, %parallel_loop3A_460 : vector<16xf32>
        %parallel_loop3A_462 = arith.constant 29 : i32
        %parallel_loop3A_463 = arith.index_cast %parallel_loop3A_462 : i32 to index
        %parallel_loop3A_464 = arith.index_cast %parallel_loop3A_291 : i32 to index
        %parallel_loop3A_465 = tpu.vector_load %arg6[%parallel_loop3A_463, %parallel_loop3A_464] {strides = array<i32>} : memref<32x1024xf32, #tpu.memory_space<vmem>>, vector<16xf32>,
        %parallel_loop3A_466 = arith.mulf %parallel_loop3A_465, %broadcast_in_dim3A_246 : vector<16xf32>
        %parallel_loop3A_467 = arith.addf %parallel_loop3A_443, %parallel_loop3A_466 : vector<16xf32>
        %parallel_loop3A_468 = arith.constant 30 : i32
        %parallel_loop3A_469 = arith.index_cast %parallel_loop3A_468 : i32 to index
        %parallel_loop3A_470 = arith.index_cast %parallel_loop3A_291 : i32 to index
        %parallel_loop3A_471 = tpu.vector_load %arg6[%parallel_loop3A_469, %parallel_loop3A_470] {strides = array<i32>} : memref<32x1024xf32, #tpu.memory_space<vmem>>, vector<16xf32>,
        %parallel_loop3A_472 = arith.mulf %parallel_loop3A_471, %broadcast_in_dim3A_247 : vector<16xf32>
        %parallel_loop3A_473 = arith.addf %parallel_loop3A_449, %parallel_loop3A_472 : vector<16xf32>
        %parallel_loop3A_474 = arith.constant 31 : i32
        %parallel_loop3A_475 = arith.index_cast %parallel_loop3A_474 : i32 to index
        %parallel_loop3A_476 = arith.index_cast %parallel_loop3A_291 : i32 to index
        %parallel_loop3A_477 = tpu.vector_load %arg6[%parallel_loop3A_475, %parallel_loop3A_476] {strides = array<i32>} : memref<32x1024xf32, #tpu.memory_space<vmem>>, vector<16xf32>,
        %parallel_loop3A_478 = arith.mulf %parallel_loop3A_477, %broadcast_in_dim3A_248 : vector<16xf32>
        %parallel_loop3A_479 = arith.addf %parallel_loop3A_455, %parallel_loop3A_478 : vector<16xf32>
        %parallel_loop3A_480 = arith.addf %parallel_loop3A_461, %parallel_loop3A_467 : vector<16xf32>
        %parallel_loop3A_481 = arith.addf %parallel_loop3A_473, %parallel_loop3A_479 : vector<16xf32>
        %parallel_loop3A_482 = arith.addf %parallel_loop3A_480, %parallel_loop3A_481 : vector<16xf32>
        %parallel_loop3A_483 = arith.addf %parallel_loop3A_482, %broadcast_in_dim3A_249 : vector<16xf32>
        %parallel_loop3A_484 = arith.constant 1024 : i32
        %parallel_loop3A_485 = arith.muli %add3A_259, %parallel_loop3A_484 : i32
        %parallel_loop3A_486 = arith.addi %parallel_loop3A_485, %parallel_loop3A_291 : i32
        %parallel_loop3A_487 = arith.index_cast %parallel_loop3A_486 : i32 to index
        %parallel_loop3A_488 = tpu.vector_load %arg8[%parallel_loop3A_487] {strides = array<i32>} : memref<18432xf32, #tpu.memory_space<vmem>>, vector<16xf32>,
        tpu.vector_store %arg8[%parallel_loop3A_487], %parallel_loop3A_483 {strides = array<i32>} : memref<18432xf32, #tpu.memory_space<vmem>>, vector<16xf32>,
      } {sc.loop_unroll_factor = 2 : i64, sc.parallel_access}
      %lt3A = arith.constant 8 : i32
      %lt3A_268 = arith.cmpi slt, %scan3A_255, %lt3A : i32
      %convert_element_type3A = arith.extui %lt3A_268 : i1 to i32
      %cond3A = arith.constant 0 : i32
      %cond3A_269 = arith.cmpi ne, %convert_element_type3A, %cond3A : i32
      scf.if %cond3A_269 {
        %add3A_289 = arith.constant 2 : i32
        %add3A_290 = arith.addi %add3A_259, %add3A_289 : i32
        %mul3A_291 = arith.constant 1024 : i32
        %mul3A_292 = arith.muli %add3A_290, %mul3A_291 : i32
        %add3A_293 = arith.addi %mul3A_2, %mul3A_292 : i32
        %dma_start3A_294 = arith.constant 0 : i32
        %dma_start3A_295 = tpu.memref_slice %arg2[%dma_start3A_294, %add3A_293] : memref<32x1048576xf32, #tpu.memory_space<hbm>> -> memref<32x1024xf32, #tpu.memory_space<hbm>>
        %dma_start3A_296 = arith.constant 0 : i32
        %dma_start3A_297 = tpu.memref_slice %arg2[%dma_start3A_296, %add3A_293] : memref<32x1048576xf32, #tpu.memory_space<hbm>> -> memref<32x1024xf32, #tpu.memory_space<hbm>>
        tpu.enqueue_dma source(%dma_start3A_297 : memref<32x1024xf32, #tpu.memory_space<hbm>>) target(%arg6 : memref<32x1024xf32, #tpu.memory_space<vmem>>) target_semaphore(%arg11 : memref<!tpu.dma_semaphore, #tpu.memory_space<semaphore_mem>>)
      } else {
      }
      %mul3A_270 = arith.constant 2 : i32
      %mul3A_271 = arith.muli %scan3A_255, %mul3A_270 : i32
      %add3A_272 = arith.constant 1 : i32
      %add3A_273 = arith.addi %mul3A_271, %add3A_272 : i32
      %mul3A_274 = arith.constant 1024 : i32
      %mul3A_275 = arith.muli %add3A_273, %mul3A_274 : i32
      %add3A_276 = arith.addi %mul3A_2, %mul3A_275 : i32
      %dma_wait3A_277 = arith.constant 0 : i32
      %dma_wait3A_278 = tpu.memref_slice %arg2[%dma_wait3A_277, %add3A_276] : memref<32x1048576xf32, #tpu.memory_space<hbm>> -> memref<32x1024xf32, #tpu.memory_space<hbm>>
      %dma_wait3A_279 = arith.constant 0 : i32
      %dma_wait3A_280 = tpu.memref_slice %arg2[%dma_wait3A_279, %add3A_276] : memref<32x1048576xf32, #tpu.memory_space<hbm>> -> memref<32x1024xf32, #tpu.memory_space<hbm>>
      tpu.wait_dma2 semaphore(%arg12 : memref<!tpu.dma_semaphore, #tpu.memory_space<semaphore_mem>>) src(%dma_wait3A_280 : memref<32x1024xf32, #tpu.memory_space<hbm>>) dst(%arg7 : memref<32x1024xf32, #tpu.memory_space<vmem>>)
      %parallel_loop3A_281 = arith.constant 0 : i32
      %parallel_loop3A_282 = arith.constant 64 : i32
      %parallel_loop3A_283 = arith.constant 1 : i32
      scf.for %parallel_loop3A_289 = %parallel_loop3A_281 to %parallel_loop3A_282 step %parallel_loop3A_283  : i32 {
        %parallel_loop3A_290 = arith.constant 16 : i32
        %parallel_loop3A_291 = arith.muli %parallel_loop3A_289, %parallel_loop3A_290 : i32
        %parallel_loop3A_292 = arith.constant 0 : i32
        %parallel_loop3A_293 = arith.index_cast %parallel_loop3A_292 : i32 to index
        %parallel_loop3A_294 = arith.index_cast %parallel_loop3A_291 : i32 to index
        %parallel_loop3A_295 = tpu.vector_load %arg7[%parallel_loop3A_293, %parallel_loop3A_294] {strides = array<i32>} : memref<32x1024xf32, #tpu.memory_space<vmem>>, vector<16xf32>,
        %parallel_loop3A_296 = arith.mulf %parallel_loop3A_295, %broadcast_in_dim3A : vector<16xf32>
        %parallel_loop3A_297 = arith.constant 1 : i32
        %parallel_loop3A_298 = arith.index_cast %parallel_loop3A_297 : i32 to index
        %parallel_loop3A_299 = arith.index_cast %parallel_loop3A_291 : i32 to index
        %parallel_loop3A_300 = tpu.vector_load %arg7[%parallel_loop3A_298, %parallel_loop3A_299] {strides = array<i32>} : memref<32x1024xf32, #tpu.memory_space<vmem>>, vector<16xf32>,
        %parallel_loop3A_301 = arith.mulf %parallel_loop3A_300, %broadcast_in_dim3A_218 : vector<16xf32>
        %parallel_loop3A_302 = arith.constant 2 : i32
        %parallel_loop3A_303 = arith.index_cast %parallel_loop3A_302 : i32 to index
        %parallel_loop3A_304 = arith.index_cast %parallel_loop3A_291 : i32 to index
        %parallel_loop3A_305 = tpu.vector_load %arg7[%parallel_loop3A_303, %parallel_loop3A_304] {strides = array<i32>} : memref<32x1024xf32, #tpu.memory_space<vmem>>, vector<16xf32>,
        %parallel_loop3A_306 = arith.mulf %parallel_loop3A_305, %broadcast_in_dim3A_219 : vector<16xf32>
        %parallel_loop3A_307 = arith.constant 3 : i32
        %parallel_loop3A_308 = arith.index_cast %parallel_loop3A_307 : i32 to index
        %parallel_loop3A_309 = arith.index_cast %parallel_loop3A_291 : i32 to index
        %parallel_loop3A_310 = tpu.vector_load %arg7[%parallel_loop3A_308, %parallel_loop3A_309] {strides = array<i32>} : memref<32x1024xf32, #tpu.memory_space<vmem>>, vector<16xf32>,
        %parallel_loop3A_311 = arith.mulf %parallel_loop3A_310, %broadcast_in_dim3A_220 : vector<16xf32>
        %parallel_loop3A_312 = arith.constant 4 : i32
        %parallel_loop3A_313 = arith.index_cast %parallel_loop3A_312 : i32 to index
        %parallel_loop3A_314 = arith.index_cast %parallel_loop3A_291 : i32 to index
        %parallel_loop3A_315 = tpu.vector_load %arg7[%parallel_loop3A_313, %parallel_loop3A_314] {strides = array<i32>} : memref<32x1024xf32, #tpu.memory_space<vmem>>, vector<16xf32>,
        %parallel_loop3A_316 = arith.mulf %parallel_loop3A_315, %broadcast_in_dim3A_221 : vector<16xf32>
        %parallel_loop3A_317 = arith.addf %parallel_loop3A_296, %parallel_loop3A_316 : vector<16xf32>
        %parallel_loop3A_318 = arith.constant 5 : i32
        %parallel_loop3A_319 = arith.index_cast %parallel_loop3A_318 : i32 to index
        %parallel_loop3A_320 = arith.index_cast %parallel_loop3A_291 : i32 to index
        %parallel_loop3A_321 = tpu.vector_load %arg7[%parallel_loop3A_319, %parallel_loop3A_320] {strides = array<i32>} : memref<32x1024xf32, #tpu.memory_space<vmem>>, vector<16xf32>,
        %parallel_loop3A_322 = arith.mulf %parallel_loop3A_321, %broadcast_in_dim3A_222 : vector<16xf32>
        %parallel_loop3A_323 = arith.addf %parallel_loop3A_301, %parallel_loop3A_322 : vector<16xf32>
        %parallel_loop3A_324 = arith.constant 6 : i32
        %parallel_loop3A_325 = arith.index_cast %parallel_loop3A_324 : i32 to index
        %parallel_loop3A_326 = arith.index_cast %parallel_loop3A_291 : i32 to index
        %parallel_loop3A_327 = tpu.vector_load %arg7[%parallel_loop3A_325, %parallel_loop3A_326] {strides = array<i32>} : memref<32x1024xf32, #tpu.memory_space<vmem>>, vector<16xf32>,
        %parallel_loop3A_328 = arith.mulf %parallel_loop3A_327, %broadcast_in_dim3A_223 : vector<16xf32>
        %parallel_loop3A_329 = arith.addf %parallel_loop3A_306, %parallel_loop3A_328 : vector<16xf32>
        %parallel_loop3A_330 = arith.constant 7 : i32
        %parallel_loop3A_331 = arith.index_cast %parallel_loop3A_330 : i32 to index
        %parallel_loop3A_332 = arith.index_cast %parallel_loop3A_291 : i32 to index
        %parallel_loop3A_333 = tpu.vector_load %arg7[%parallel_loop3A_331, %parallel_loop3A_332] {strides = array<i32>} : memref<32x1024xf32, #tpu.memory_space<vmem>>, vector<16xf32>,
        %parallel_loop3A_334 = arith.mulf %parallel_loop3A_333, %broadcast_in_dim3A_224 : vector<16xf32>
        %parallel_loop3A_335 = arith.addf %parallel_loop3A_311, %parallel_loop3A_334 : vector<16xf32>
        %parallel_loop3A_336 = arith.constant 8 : i32
        %parallel_loop3A_337 = arith.index_cast %parallel_loop3A_336 : i32 to index
        %parallel_loop3A_338 = arith.index_cast %parallel_loop3A_291 : i32 to index
        %parallel_loop3A_339 = tpu.vector_load %arg7[%parallel_loop3A_337, %parallel_loop3A_338] {strides = array<i32>} : memref<32x1024xf32, #tpu.memory_space<vmem>>, vector<16xf32>,
        %parallel_loop3A_340 = arith.mulf %parallel_loop3A_339, %broadcast_in_dim3A_225 : vector<16xf32>
        %parallel_loop3A_341 = arith.addf %parallel_loop3A_317, %parallel_loop3A_340 : vector<16xf32>
        %parallel_loop3A_342 = arith.constant 9 : i32
        %parallel_loop3A_343 = arith.index_cast %parallel_loop3A_342 : i32 to index
        %parallel_loop3A_344 = arith.index_cast %parallel_loop3A_291 : i32 to index
        %parallel_loop3A_345 = tpu.vector_load %arg7[%parallel_loop3A_343, %parallel_loop3A_344] {strides = array<i32>} : memref<32x1024xf32, #tpu.memory_space<vmem>>, vector<16xf32>,
        %parallel_loop3A_346 = arith.mulf %parallel_loop3A_345, %broadcast_in_dim3A_226 : vector<16xf32>
        %parallel_loop3A_347 = arith.addf %parallel_loop3A_323, %parallel_loop3A_346 : vector<16xf32>
        %parallel_loop3A_348 = arith.constant 10 : i32
        %parallel_loop3A_349 = arith.index_cast %parallel_loop3A_348 : i32 to index
        %parallel_loop3A_350 = arith.index_cast %parallel_loop3A_291 : i32 to index
        %parallel_loop3A_351 = tpu.vector_load %arg7[%parallel_loop3A_349, %parallel_loop3A_350] {strides = array<i32>} : memref<32x1024xf32, #tpu.memory_space<vmem>>, vector<16xf32>,
        %parallel_loop3A_352 = arith.mulf %parallel_loop3A_351, %broadcast_in_dim3A_227 : vector<16xf32>
        %parallel_loop3A_353 = arith.addf %parallel_loop3A_329, %parallel_loop3A_352 : vector<16xf32>
        %parallel_loop3A_354 = arith.constant 11 : i32
        %parallel_loop3A_355 = arith.index_cast %parallel_loop3A_354 : i32 to index
        %parallel_loop3A_356 = arith.index_cast %parallel_loop3A_291 : i32 to index
        %parallel_loop3A_357 = tpu.vector_load %arg7[%parallel_loop3A_355, %parallel_loop3A_356] {strides = array<i32>} : memref<32x1024xf32, #tpu.memory_space<vmem>>, vector<16xf32>,
        %parallel_loop3A_358 = arith.mulf %parallel_loop3A_357, %broadcast_in_dim3A_228 : vector<16xf32>
        %parallel_loop3A_359 = arith.addf %parallel_loop3A_335, %parallel_loop3A_358 : vector<16xf32>
        %parallel_loop3A_360 = arith.constant 12 : i32
        %parallel_loop3A_361 = arith.index_cast %parallel_loop3A_360 : i32 to index
        %parallel_loop3A_362 = arith.index_cast %parallel_loop3A_291 : i32 to index
        %parallel_loop3A_363 = tpu.vector_load %arg7[%parallel_loop3A_361, %parallel_loop3A_362] {strides = array<i32>} : memref<32x1024xf32, #tpu.memory_space<vmem>>, vector<16xf32>,
        %parallel_loop3A_364 = arith.mulf %parallel_loop3A_363, %broadcast_in_dim3A_229 : vector<16xf32>
        %parallel_loop3A_365 = arith.addf %parallel_loop3A_341, %parallel_loop3A_364 : vector<16xf32>
        %parallel_loop3A_366 = arith.constant 13 : i32
        %parallel_loop3A_367 = arith.index_cast %parallel_loop3A_366 : i32 to index
        %parallel_loop3A_368 = arith.index_cast %parallel_loop3A_291 : i32 to index
        %parallel_loop3A_369 = tpu.vector_load %arg7[%parallel_loop3A_367, %parallel_loop3A_368] {strides = array<i32>} : memref<32x1024xf32, #tpu.memory_space<vmem>>, vector<16xf32>,
        %parallel_loop3A_370 = arith.mulf %parallel_loop3A_369, %broadcast_in_dim3A_230 : vector<16xf32>
        %parallel_loop3A_371 = arith.addf %parallel_loop3A_347, %parallel_loop3A_370 : vector<16xf32>
        %parallel_loop3A_372 = arith.constant 14 : i32
        %parallel_loop3A_373 = arith.index_cast %parallel_loop3A_372 : i32 to index
        %parallel_loop3A_374 = arith.index_cast %parallel_loop3A_291 : i32 to index
        %parallel_loop3A_375 = tpu.vector_load %arg7[%parallel_loop3A_373, %parallel_loop3A_374] {strides = array<i32>} : memref<32x1024xf32, #tpu.memory_space<vmem>>, vector<16xf32>,
        %parallel_loop3A_376 = arith.mulf %parallel_loop3A_375, %broadcast_in_dim3A_231 : vector<16xf32>
        %parallel_loop3A_377 = arith.addf %parallel_loop3A_353, %parallel_loop3A_376 : vector<16xf32>
        %parallel_loop3A_378 = arith.constant 15 : i32
        %parallel_loop3A_379 = arith.index_cast %parallel_loop3A_378 : i32 to index
        %parallel_loop3A_380 = arith.index_cast %parallel_loop3A_291 : i32 to index
        %parallel_loop3A_381 = tpu.vector_load %arg7[%parallel_loop3A_379, %parallel_loop3A_380] {strides = array<i32>} : memref<32x1024xf32, #tpu.memory_space<vmem>>, vector<16xf32>,
        %parallel_loop3A_382 = arith.mulf %parallel_loop3A_381, %broadcast_in_dim3A_232 : vector<16xf32>
        %parallel_loop3A_383 = arith.addf %parallel_loop3A_359, %parallel_loop3A_382 : vector<16xf32>
        %parallel_loop3A_384 = arith.constant 16 : i32
        %parallel_loop3A_385 = arith.index_cast %parallel_loop3A_384 : i32 to index
        %parallel_loop3A_386 = arith.index_cast %parallel_loop3A_291 : i32 to index
        %parallel_loop3A_387 = tpu.vector_load %arg7[%parallel_loop3A_385, %parallel_loop3A_386] {strides = array<i32>} : memref<32x1024xf32, #tpu.memory_space<vmem>>, vector<16xf32>,
        %parallel_loop3A_388 = arith.mulf %parallel_loop3A_387, %broadcast_in_dim3A_233 : vector<16xf32>
        %parallel_loop3A_389 = arith.addf %parallel_loop3A_365, %parallel_loop3A_388 : vector<16xf32>
        %parallel_loop3A_390 = arith.constant 17 : i32
        %parallel_loop3A_391 = arith.index_cast %parallel_loop3A_390 : i32 to index
        %parallel_loop3A_392 = arith.index_cast %parallel_loop3A_291 : i32 to index
        %parallel_loop3A_393 = tpu.vector_load %arg7[%parallel_loop3A_391, %parallel_loop3A_392] {strides = array<i32>} : memref<32x1024xf32, #tpu.memory_space<vmem>>, vector<16xf32>,
        %parallel_loop3A_394 = arith.mulf %parallel_loop3A_393, %broadcast_in_dim3A_234 : vector<16xf32>
        %parallel_loop3A_395 = arith.addf %parallel_loop3A_371, %parallel_loop3A_394 : vector<16xf32>
        %parallel_loop3A_396 = arith.constant 18 : i32
        %parallel_loop3A_397 = arith.index_cast %parallel_loop3A_396 : i32 to index
        %parallel_loop3A_398 = arith.index_cast %parallel_loop3A_291 : i32 to index
        %parallel_loop3A_399 = tpu.vector_load %arg7[%parallel_loop3A_397, %parallel_loop3A_398] {strides = array<i32>} : memref<32x1024xf32, #tpu.memory_space<vmem>>, vector<16xf32>,
        %parallel_loop3A_400 = arith.mulf %parallel_loop3A_399, %broadcast_in_dim3A_235 : vector<16xf32>
        %parallel_loop3A_401 = arith.addf %parallel_loop3A_377, %parallel_loop3A_400 : vector<16xf32>
        %parallel_loop3A_402 = arith.constant 19 : i32
        %parallel_loop3A_403 = arith.index_cast %parallel_loop3A_402 : i32 to index
        %parallel_loop3A_404 = arith.index_cast %parallel_loop3A_291 : i32 to index
        %parallel_loop3A_405 = tpu.vector_load %arg7[%parallel_loop3A_403, %parallel_loop3A_404] {strides = array<i32>} : memref<32x1024xf32, #tpu.memory_space<vmem>>, vector<16xf32>,
        %parallel_loop3A_406 = arith.mulf %parallel_loop3A_405, %broadcast_in_dim3A_236 : vector<16xf32>
        %parallel_loop3A_407 = arith.addf %parallel_loop3A_383, %parallel_loop3A_406 : vector<16xf32>
        %parallel_loop3A_408 = arith.constant 20 : i32
        %parallel_loop3A_409 = arith.index_cast %parallel_loop3A_408 : i32 to index
        %parallel_loop3A_410 = arith.index_cast %parallel_loop3A_291 : i32 to index
        %parallel_loop3A_411 = tpu.vector_load %arg7[%parallel_loop3A_409, %parallel_loop3A_410] {strides = array<i32>} : memref<32x1024xf32, #tpu.memory_space<vmem>>, vector<16xf32>,
        %parallel_loop3A_412 = arith.mulf %parallel_loop3A_411, %broadcast_in_dim3A_237 : vector<16xf32>
        %parallel_loop3A_413 = arith.addf %parallel_loop3A_389, %parallel_loop3A_412 : vector<16xf32>
        %parallel_loop3A_414 = arith.constant 21 : i32
        %parallel_loop3A_415 = arith.index_cast %parallel_loop3A_414 : i32 to index
        %parallel_loop3A_416 = arith.index_cast %parallel_loop3A_291 : i32 to index
        %parallel_loop3A_417 = tpu.vector_load %arg7[%parallel_loop3A_415, %parallel_loop3A_416] {strides = array<i32>} : memref<32x1024xf32, #tpu.memory_space<vmem>>, vector<16xf32>,
        %parallel_loop3A_418 = arith.mulf %parallel_loop3A_417, %broadcast_in_dim3A_238 : vector<16xf32>
        %parallel_loop3A_419 = arith.addf %parallel_loop3A_395, %parallel_loop3A_418 : vector<16xf32>
        %parallel_loop3A_420 = arith.constant 22 : i32
        %parallel_loop3A_421 = arith.index_cast %parallel_loop3A_420 : i32 to index
        %parallel_loop3A_422 = arith.index_cast %parallel_loop3A_291 : i32 to index
        %parallel_loop3A_423 = tpu.vector_load %arg7[%parallel_loop3A_421, %parallel_loop3A_422] {strides = array<i32>} : memref<32x1024xf32, #tpu.memory_space<vmem>>, vector<16xf32>,
        %parallel_loop3A_424 = arith.mulf %parallel_loop3A_423, %broadcast_in_dim3A_239 : vector<16xf32>
        %parallel_loop3A_425 = arith.addf %parallel_loop3A_401, %parallel_loop3A_424 : vector<16xf32>
        %parallel_loop3A_426 = arith.constant 23 : i32
        %parallel_loop3A_427 = arith.index_cast %parallel_loop3A_426 : i32 to index
        %parallel_loop3A_428 = arith.index_cast %parallel_loop3A_291 : i32 to index
        %parallel_loop3A_429 = tpu.vector_load %arg7[%parallel_loop3A_427, %parallel_loop3A_428] {strides = array<i32>} : memref<32x1024xf32, #tpu.memory_space<vmem>>, vector<16xf32>,
        %parallel_loop3A_430 = arith.mulf %parallel_loop3A_429, %broadcast_in_dim3A_240 : vector<16xf32>
        %parallel_loop3A_431 = arith.addf %parallel_loop3A_407, %parallel_loop3A_430 : vector<16xf32>
        %parallel_loop3A_432 = arith.constant 24 : i32
        %parallel_loop3A_433 = arith.index_cast %parallel_loop3A_432 : i32 to index
        %parallel_loop3A_434 = arith.index_cast %parallel_loop3A_291 : i32 to index
        %parallel_loop3A_435 = tpu.vector_load %arg7[%parallel_loop3A_433, %parallel_loop3A_434] {strides = array<i32>} : memref<32x1024xf32, #tpu.memory_space<vmem>>, vector<16xf32>,
        %parallel_loop3A_436 = arith.mulf %parallel_loop3A_435, %broadcast_in_dim3A_241 : vector<16xf32>
        %parallel_loop3A_437 = arith.addf %parallel_loop3A_413, %parallel_loop3A_436 : vector<16xf32>
        %parallel_loop3A_438 = arith.constant 25 : i32
        %parallel_loop3A_439 = arith.index_cast %parallel_loop3A_438 : i32 to index
        %parallel_loop3A_440 = arith.index_cast %parallel_loop3A_291 : i32 to index
        %parallel_loop3A_441 = tpu.vector_load %arg7[%parallel_loop3A_439, %parallel_loop3A_440] {strides = array<i32>} : memref<32x1024xf32, #tpu.memory_space<vmem>>, vector<16xf32>,
        %parallel_loop3A_442 = arith.mulf %parallel_loop3A_441, %broadcast_in_dim3A_242 : vector<16xf32>
        %parallel_loop3A_443 = arith.addf %parallel_loop3A_419, %parallel_loop3A_442 : vector<16xf32>
        %parallel_loop3A_444 = arith.constant 26 : i32
        %parallel_loop3A_445 = arith.index_cast %parallel_loop3A_444 : i32 to index
        %parallel_loop3A_446 = arith.index_cast %parallel_loop3A_291 : i32 to index
        %parallel_loop3A_447 = tpu.vector_load %arg7[%parallel_loop3A_445, %parallel_loop3A_446] {strides = array<i32>} : memref<32x1024xf32, #tpu.memory_space<vmem>>, vector<16xf32>,
        %parallel_loop3A_448 = arith.mulf %parallel_loop3A_447, %broadcast_in_dim3A_243 : vector<16xf32>
        %parallel_loop3A_449 = arith.addf %parallel_loop3A_425, %parallel_loop3A_448 : vector<16xf32>
        %parallel_loop3A_450 = arith.constant 27 : i32
        %parallel_loop3A_451 = arith.index_cast %parallel_loop3A_450 : i32 to index
        %parallel_loop3A_452 = arith.index_cast %parallel_loop3A_291 : i32 to index
        %parallel_loop3A_453 = tpu.vector_load %arg7[%parallel_loop3A_451, %parallel_loop3A_452] {strides = array<i32>} : memref<32x1024xf32, #tpu.memory_space<vmem>>, vector<16xf32>,
        %parallel_loop3A_454 = arith.mulf %parallel_loop3A_453, %broadcast_in_dim3A_244 : vector<16xf32>
        %parallel_loop3A_455 = arith.addf %parallel_loop3A_431, %parallel_loop3A_454 : vector<16xf32>
        %parallel_loop3A_456 = arith.constant 28 : i32
        %parallel_loop3A_457 = arith.index_cast %parallel_loop3A_456 : i32 to index
        %parallel_loop3A_458 = arith.index_cast %parallel_loop3A_291 : i32 to index
        %parallel_loop3A_459 = tpu.vector_load %arg7[%parallel_loop3A_457, %parallel_loop3A_458] {strides = array<i32>} : memref<32x1024xf32, #tpu.memory_space<vmem>>, vector<16xf32>,
        %parallel_loop3A_460 = arith.mulf %parallel_loop3A_459, %broadcast_in_dim3A_245 : vector<16xf32>
        %parallel_loop3A_461 = arith.addf %parallel_loop3A_437, %parallel_loop3A_460 : vector<16xf32>
        %parallel_loop3A_462 = arith.constant 29 : i32
        %parallel_loop3A_463 = arith.index_cast %parallel_loop3A_462 : i32 to index
        %parallel_loop3A_464 = arith.index_cast %parallel_loop3A_291 : i32 to index
        %parallel_loop3A_465 = tpu.vector_load %arg7[%parallel_loop3A_463, %parallel_loop3A_464] {strides = array<i32>} : memref<32x1024xf32, #tpu.memory_space<vmem>>, vector<16xf32>,
        %parallel_loop3A_466 = arith.mulf %parallel_loop3A_465, %broadcast_in_dim3A_246 : vector<16xf32>
        %parallel_loop3A_467 = arith.addf %parallel_loop3A_443, %parallel_loop3A_466 : vector<16xf32>
        %parallel_loop3A_468 = arith.constant 30 : i32
        %parallel_loop3A_469 = arith.index_cast %parallel_loop3A_468 : i32 to index
        %parallel_loop3A_470 = arith.index_cast %parallel_loop3A_291 : i32 to index
        %parallel_loop3A_471 = tpu.vector_load %arg7[%parallel_loop3A_469, %parallel_loop3A_470] {strides = array<i32>} : memref<32x1024xf32, #tpu.memory_space<vmem>>, vector<16xf32>,
        %parallel_loop3A_472 = arith.mulf %parallel_loop3A_471, %broadcast_in_dim3A_247 : vector<16xf32>
        %parallel_loop3A_473 = arith.addf %parallel_loop3A_449, %parallel_loop3A_472 : vector<16xf32>
        %parallel_loop3A_474 = arith.constant 31 : i32
        %parallel_loop3A_475 = arith.index_cast %parallel_loop3A_474 : i32 to index
        %parallel_loop3A_476 = arith.index_cast %parallel_loop3A_291 : i32 to index
        %parallel_loop3A_477 = tpu.vector_load %arg7[%parallel_loop3A_475, %parallel_loop3A_476] {strides = array<i32>} : memref<32x1024xf32, #tpu.memory_space<vmem>>, vector<16xf32>,
        %parallel_loop3A_478 = arith.mulf %parallel_loop3A_477, %broadcast_in_dim3A_248 : vector<16xf32>
        %parallel_loop3A_479 = arith.addf %parallel_loop3A_455, %parallel_loop3A_478 : vector<16xf32>
        %parallel_loop3A_480 = arith.addf %parallel_loop3A_461, %parallel_loop3A_467 : vector<16xf32>
        %parallel_loop3A_481 = arith.addf %parallel_loop3A_473, %parallel_loop3A_479 : vector<16xf32>
        %parallel_loop3A_482 = arith.addf %parallel_loop3A_480, %parallel_loop3A_481 : vector<16xf32>
        %parallel_loop3A_483 = arith.addf %parallel_loop3A_482, %broadcast_in_dim3A_249 : vector<16xf32>
        %parallel_loop3A_484 = arith.constant 1024 : i32
        %parallel_loop3A_485 = arith.muli %add3A_273, %parallel_loop3A_484 : i32
        %parallel_loop3A_486 = arith.addi %parallel_loop3A_485, %parallel_loop3A_291 : i32
        %parallel_loop3A_487 = arith.index_cast %parallel_loop3A_486 : i32 to index
        %parallel_loop3A_488 = tpu.vector_load %arg8[%parallel_loop3A_487] {strides = array<i32>} : memref<18432xf32, #tpu.memory_space<vmem>>, vector<16xf32>,
        tpu.vector_store %arg8[%parallel_loop3A_487], %parallel_loop3A_483 {strides = array<i32>} : memref<18432xf32, #tpu.memory_space<vmem>>, vector<16xf32>,
      } {sc.loop_unroll_factor = 2 : i64, sc.parallel_access}
      %lt3A_284 = arith.constant 8 : i32
      %lt3A_285 = arith.cmpi slt, %scan3A_255, %lt3A_284 : i32
      %convert_element_type3A_286 = arith.extui %lt3A_285 : i1 to i32
      %cond3A_287 = arith.constant 0 : i32
      %cond3A_288 = arith.cmpi ne, %convert_element_type3A_286, %cond3A_287 : i32
      scf.if %cond3A_288 {
        %add3A_289 = arith.constant 2 : i32
        %add3A_290 = arith.addi %add3A_273, %add3A_289 : i32
        %mul3A_291 = arith.constant 1024 : i32
        %mul3A_292 = arith.muli %add3A_290, %mul3A_291 : i32
        %add3A_293 = arith.addi %mul3A_2, %mul3A_292 : i32
        %dma_start3A_294 = arith.constant 0 : i32
        %dma_start3A_295 = tpu.memref_slice %arg2[%dma_start3A_294, %add3A_293] : memref<32x1048576xf32, #tpu.memory_space<hbm>> -> memref<32x1024xf32, #tpu.memory_space<hbm>>
        %dma_start3A_296 = arith.constant 0 : i32
        %dma_start3A_297 = tpu.memref_slice %arg2[%dma_start3A_296, %add3A_293] : memref<32x1048576xf32, #tpu.memory_space<hbm>> -> memref<32x1024xf32, #tpu.memory_space<hbm>>
        tpu.enqueue_dma source(%dma_start3A_297 : memref<32x1024xf32, #tpu.memory_space<hbm>>) target(%arg7 : memref<32x1024xf32, #tpu.memory_space<vmem>>) target_semaphore(%arg12 : memref<!tpu.dma_semaphore, #tpu.memory_space<semaphore_mem>>)
      } else {
      }
    }
    %scan3A_254 = arith.constant 9 : i32
    "tpu.region"() ({
      %run_scoped3A = tpu.sem_alloc : memref<!tpu.dma_semaphore, #tpu.memory_space<semaphore_mem>>
      %dma_start3A_255 = tpu.memref_slice %arg5[%mul3A_2] : memref<589824xf32, #tpu.memory_space<hbm>> -> memref<18432xf32, #tpu.memory_space<hbm>>
      %dma_start3A_256 = tpu.memref_slice %arg5[%mul3A_2] : memref<589824xf32, #tpu.memory_space<hbm>> -> memref<18432xf32, #tpu.memory_space<hbm>>
      tpu.enqueue_dma source(%arg8 : memref<18432xf32, #tpu.memory_space<vmem>>) target(%dma_start3A_256 : memref<18432xf32, #tpu.memory_space<hbm>>) target_semaphore(%run_scoped3A : memref<!tpu.dma_semaphore, #tpu.memory_space<semaphore_mem>>)
      %dma_wait3A = tpu.memref_slice %arg5[%mul3A_2] : memref<589824xf32, #tpu.memory_space<hbm>> -> memref<18432xf32, #tpu.memory_space<hbm>>
      %dma_wait3A_257 = tpu.memref_slice %arg5[%mul3A_2] : memref<589824xf32, #tpu.memory_space<hbm>> -> memref<18432xf32, #tpu.memory_space<hbm>>
      tpu.wait_dma2 semaphore(%run_scoped3A : memref<!tpu.dma_semaphore, #tpu.memory_space<semaphore_mem>>) src(%arg8 : memref<18432xf32, #tpu.memory_space<vmem>>) dst(%dma_wait3A_257 : memref<18432xf32, #tpu.memory_space<hbm>>)
      tpu.yield
    }) : () -> ()
    return
  }
}

module attributes {stable_mosaic.version = 14 : i64} {
  func.func @_tc_body(%arg0: i32, %arg1: memref<32x16384xf32, #tpu.memory_space<vmem>>, %arg2: memref<16x32xf32, #tpu.memory_space<vmem>>, %arg3: memref<16xf32, #tpu.memory_space<vmem>>, %arg4: memref<16384xf32, #tpu.memory_space<vmem>>) attributes {dimension_semantics = [#tpu.dimension_semantics<arbitrary>], iteration_bounds = array<i64: 28>, scalar_prefetch = 0 : i64, scratch_operands = 0 : i64, tpu.core_type = #tpu.core_type<tc>, window_params = [{transform_indices = @transform_0, window_bounds = array<i64: 32, 16384>}, {pipeline_mode = #tpu.pipeline_mode<synchronous>, transform_indices = @transform_1, window_bounds = array<i64: 16, 32>}, {pipeline_mode = #tpu.pipeline_mode<synchronous>, transform_indices = @transform_2, window_bounds = array<i64: 16>}, {transform_indices = @transform_3, window_bounds = array<i64: 16384>}]} {
    %get3A = arith.constant 0 : index
    %get3A_0 = arith.constant 0 : index
    %get3A_1 = vector.load %arg2[%get3A, %get3A_0] : memref<16x32xf32, #tpu.memory_space<vmem>>, vector<16x32xf32>
    %reduce_sum3A = arith.constant dense<0.000000e+00> : vector<32xf32>
    %reduce_sum3A_2 = vector.multi_reduction <add>, %get3A_1, %reduce_sum3A [0] : vector<16x32xf32> to vector<32xf32>
    %get3A_3 = arith.constant 0 : index
    %get3A_4 = vector.load %arg3[%get3A_3] : memref<16xf32, #tpu.memory_space<vmem>>, vector<16xf32>
    %reduce_sum3A_5 = vector.shape_cast %get3A_4 : vector<16xf32> to vector<1x16xf32>
    %reduce_sum3A_6 = arith.constant dense<0.000000e+00> : vector<1xf32>
    %reduce_sum3A_7 = vector.multi_reduction <add>, %reduce_sum3A_5, %reduce_sum3A_6 [1] : vector<1x16xf32> to vector<1xf32>
    %reduce_sum3A_8 = vector.shape_cast %reduce_sum3A_7 : vector<1xf32> to vector<1x1xf32>
    %reduce_sum3A_9 = vector.extract %reduce_sum3A_8[0, 0] : f32 from vector<1x1xf32>
    %get3A_10 = arith.constant 0 : index
    %get3A_11 = arith.constant 0 : index
    %get3A_12 = vector.load %arg1[%get3A_10, %get3A_11] : memref<32x16384xf32, #tpu.memory_space<vmem>>, vector<32x16384xf32>
    %broadcast_in_dim3A = vector.shape_cast %reduce_sum3A_2 : vector<32xf32> to vector<32x1xf32>
    %mul3A = vector.broadcast %broadcast_in_dim3A : vector<32x1xf32> to vector<32x16384xf32>
    %mul3A_13 = arith.mulf %get3A_12, %mul3A : vector<32x16384xf32>
    %reduce_sum3A_14 = arith.constant dense<0.000000e+00> : vector<16384xf32>
    %reduce_sum3A_15 = vector.multi_reduction <add>, %mul3A_13, %reduce_sum3A_14 [0] : vector<32x16384xf32> to vector<16384xf32>
    %add3A = vector.broadcast %reduce_sum3A_9 : f32 to vector<16384xf32>
    %add3A_16 = arith.addf %reduce_sum3A_15, %add3A : vector<16384xf32>
    %swap3A = arith.constant 0 : index
    %swap3A_17 = vector.load %arg4[%swap3A] : memref<16384xf32, #tpu.memory_space<vmem>>, vector<16384xf32>
    tpu.vector_store %arg4[%swap3A], %add3A_16 {strides = array<i32>} : memref<16384xf32, #tpu.memory_space<vmem>>, vector<16384xf32>,
    return
  }
  func.func @transform_0(%arg0: i32) -> (i32, i32) {
    %add3A = arith.constant 36 : i32
    %add3A_0 = arith.addi %add3A, %arg0 : i32
    %c0_i32 = arith.constant 0 : i32
    %c0_i32_1 = arith.constant 0 : i32
    return %c0_i32, %add3A_0 : i32, i32
  }
  func.func @transform_1(%arg0: i32) -> (i32, i32) {
    %c0_i32 = arith.constant 0 : i32
    %c0_i32_0 = arith.constant 0 : i32
    %c0_i32_1 = arith.constant 0 : i32
    return %c0_i32, %c0_i32_0 : i32, i32
  }
  func.func @transform_2(%arg0: i32) -> i32 {
    %c0_i32 = arith.constant 0 : i32
    %c0_i32_0 = arith.constant 0 : i32
    return %c0_i32 : i32
  }
  func.func @transform_3(%arg0: i32) -> i32 {
    %c0_i32 = arith.constant 0 : i32
    return %arg0 : i32
  }
}

</mosaic_0001>

<sc_bundles>
// kernel: kernel.4.cloned.1.call-start
scs
__scs_entry_jumppad:
0x0: {  	(pc) =	sbr.rel $0x88, $3  }
0x1: {  	(tag) =	ssettag $0x0;
	lr =	simm.s32 $0x1  }
0x2: {  	[smem:$0x3F9E] =	sst lr;
	_ =	strace $0xD0000000  }
0x3: {  	_ = 	snop  }
0x4: {  	_ = 	snop  }
0x5: {  	_ = 	snop  }
0x6: {  	_ = 	snop  }
0x7: {  	_ = 	snop  }
__scs_overlays_trampoline_lowered:
0x8: {  	[smem:$0x3FAD] =	sst s0  }
0x9: {  	[smem:$0x3FAE] =	sst s1  }
0xa: {  	[smem:$0x3FAF] =	sst s2  }
0xb: {  	[smem:$0x3FB0] =	sst s3  }
0xc: {  	[smem:$0x3FB1] =	sst s4  }
0xd: {  	[smem:$0x3FB2] =	sst s5  }
0xe: {  	[smem:$0x3FB3] =	sst s6  }
0xf: {  	[smem:$0x3FB4] =	sst s7  }
0x10: {  	[smem:$0x3FB5] =	sst s8  }
0x11: {  	[smem:$0x3FB6] =	sst s9;
	s0 =	simm.s32 @!p0 $0x0  }
0x12: {  	s1 =	sld [smem:$0x3F9C];
	s0 =	simm.s32 @p0 $0x1  }
0x13: {  	[smem:$0x3FB7] =	sst s0;
	s0 =	simm.s32 @!p1 $0x0  }
0x14: {  	s2 =	sld [smem:$0x3F9B];
	s0 =	simm.s32 @p1 $0x1  }
0x15: {  	[smem:$0x3FB8] =	sst s0;
	s0 =	simm.s32 @!p2 $0x0  }
0x16: {  	s3 =	sld [smem:$0x3FDB];
	s0 =	simm.s32 @p2 $0x1  }
0x17: {  	s4 =	simm.s32 $0x1BF5;
	[smem:$0x3FBA] =	sst s0  }
0x18: {  	s0 =	sld [smem:$0x3F9D];
	_ =	swait.ge [sflag:s4], $0x0  }
0x19: {  	s7 =	sld [smem:$0x3F9E]  }
0x1a: {  	s8 =	sadd.s32 $0xFFFFE003, lr  }
0x1b: {  	s9 =	sadd.s32 $0xFFFFFEF7, lr;
	s5 =	simm.s32 $0xFFFFFFFF;
	p2 =	slt.u32 s8, $0xFFFFF086  }
0x1c: {  	p1 =	slt.u32 s9, $0xF7A;
	s5 =	simm.s32 @!p2 $0x0  }
0x1d: {  	s5 =	simm.s32 @p1 $0x1;
	p0 =	seq.s32 s7, s2  }
0x1e: {  	s7 =	smul.u32 @!p0 $0xF7A, s2;
	p2 =	seq.s32 @!p0 s5, $0x0  }
0x1f: {  	s9 =	smul.u32 $0xF7A, s1;
	s8 =	simm.s32 @!p0 $0x1BF5;
	p2 =	por !p2, p0  }
0x20: {  	[sflag:s8] =	ssyncset.s32 @!p0 $0xFFFFF086;
	s6 =	sadd.s32 @!p0 s3, s7;
	s7 =	simm.s32 @!p0 $0x108  }
0x21: {  	s3 =	sadd.s32 s3, s9;
	s6 =	sadd.s32 @!p0 $0x88, s6;
	s7 =	simm.s32 @p2 $0x1082  }
0x22: {  	[simem:s7], [sflag:s8] =	dma.local @!p0 [hbm:s6], $0xF7A  }
0x23: {  	s9 =	sor.u32 $0xD0000000, s2;
	s6 =	simm.s32 $0x108;
	_ =	swait.ge @!p0 [sflag:s8], $0x0  }
0x24: {  	s3 =	sadd.s32 $0x88, s3;
	s6 =	simm.s32 @!p1 $0x1082;
	[sflag:s4] =	ssyncset.s32 $0xFFFFF086  }
0x25: {  	[simem:s6], [sflag:s4] =	dma.local [hbm:s3], $0xF7A  }
0x26: {  	[smem:$0x3F9E] =	sst s1;
	(tag) =	ssettag s2;
	_ =	strace s9  }
0x27: {  	s1 =	sld [smem:$0x3FAE]  }
0x28: {  	s2 =	sld [smem:$0x3FAF]  }
0x29: {  	s4 =	sld [smem:$0x3FB1]  }
0x2a: {  	p0 =	seq.s32 s5, $0x0;
	s5 =	sld [smem:$0x3FB2]  }
0x2b: {  	s6 =	sld [smem:$0x3FB3]  }
0x2c: {  	s7 =	sld [smem:$0x3FB4]  }
0x2d: {  	s3 =	simm.s32 $0x108;
	s8 =	sld [smem:$0x3FB5]  }
0x2e: {  	s3 =	simm.s32 @!p0 $0x1082;
	s9 =	sld [smem:$0x3FB6]  }
0x2f: {  	lr =	sadd.s32 s0, s3;
	s0 =	sld [smem:$0x3FAD]  }
0x30: {  	s3 =	sld [smem:$0x3FB0]  }
0x31: {  	[smem:$0x3FB9] =	sst s10  }
0x32: {  	s10 =	sld [smem:$0x3FB7];
	_ =	sdelay $0x3  }
0x33: {  	p0 =	seq.s32 s10, $0x1;
	s10 =	sld [smem:$0x3FB9];
	_ =	sdelay $0x3  }
0x34: {  	[smem:$0x3FB9] =	sst s10  }
0x35: {  	s10 =	sld [smem:$0x3FB8];
	_ =	sdelay $0x3  }
0x36: {  	p1 =	seq.s32 s10, $0x1;
	s10 =	sld [smem:$0x3FB9];
	_ =	sdelay $0x3  }
0x37: {  	[smem:$0x3FB9] =	sst s10  }
0x38: {  	s10 =	sld [smem:$0x3FBA]  }
0x39: {  	_ = 	snop;
	(pc) =	sbr.ind lr, $3  }
0x3a: {  	_ = 	snop  }
0x3b: {  	_ = 	snop  }
0x3c: {  	p2 =	seq.s32 s10, $0x1;
	s10 =	sld [smem:$0x3FB9]  }
0x3d: {  	_ =	shalt  }
0x3e: {  	_ =	shalt  }
0x3f: {  	_ =	shalt  }
0x40: {  	_ =	shalt  }
0x41: {  	_ =	shalt  }
0x42: {  	_ =	shalt  }
0x43: {  	_ =	shalt  }
0x44: {  	_ =	shalt  }
0x45: {  	_ =	shalt  }
0x46: {  	_ =	shalt  }
0x47: {  	_ =	shalt  }
0x48: {  	_ =	shalt  }
0x49: {  	_ =	shalt  }
0x4a: {  	_ =	shalt  }
0x4b: {  	_ =	shalt  }
0x4c: {  	_ =	shalt  }
0x4d: {  	_ =	shalt  }
0x4e: {  	_ =	shalt  }
0x4f: {  	_ =	shalt  }
0x50: {  	_ =	shalt  }
0x51: {  	_ =	shalt  }
0x52: {  	_ =	shalt  }
0x53: {  	_ =	shalt  }
0x54: {  	_ =	shalt  }
0x55: {  	_ =	shalt  }
0x56: {  	_ =	shalt  }
0x57: {  	_ =	shalt  }
0x58: {  	_ =	shalt  }
0x59: {  	_ =	shalt  }
0x5a: {  	_ =	shalt  }
0x5b: {  	_ =	shalt  }
0x5c: {  	_ =	shalt  }
0x5d: {  	_ =	shalt  }
0x5e: {  	_ =	shalt  }
0x5f: {  	_ =	shalt  }
0x60: {  	_ =	shalt  }
0x61: {  	_ =	shalt  }
0x62: {  	_ =	shalt  }
0x63: {  	_ =	shalt  }
0x64: {  	_ =	shalt  }
0x65: {  	_ =	shalt  }
0x66: {  	_ =	shalt  }
0x67: {  	_ =	shalt  }
0x68: {  	_ =	shalt  }
0x69: {  	_ =	shalt  }
0x6a: {  	_ =	shalt  }
0x6b: {  	_ =	shalt  }
0x6c: {  	_ =	shalt  }
0x6d: {  	_ =	shalt  }
0x6e: {  	_ =	shalt  }
0x6f: {  	_ =	shalt  }
0x70: {  	_ =	shalt  }
0x71: {  	_ =	shalt  }
0x72: {  	_ =	shalt  }
0x73: {  	_ =	shalt  }
0x74: {  	_ =	shalt  }
0x75: {  	_ =	shalt  }
0x76: {  	_ =	shalt  }
0x77: {  	_ =	shalt  }
0x78: {  	_ =	shalt  }
0x79: {  	_ =	shalt  }
0x7a: {  	_ =	shalt  }
0x7b: {  	_ =	shalt  }
0x7c: {  	_ =	shalt  }
0x7d: {  	_ =	shalt  }
0x7e: {  	_ =	shalt  }
0x7f: {  	_ =	shalt  }
0x80: {  	_ =	shalt  }
0x81: {  	_ =	shalt  }
0x82: {  	_ =	shalt  }
0x83: {  	_ =	shalt  }
0x84: {  	_ =	shalt  }
0x85: {  	_ =	shalt  }
0x86: {  	_ =	shalt  }
0x87: {  	_ =	shalt  }
.Lfunc_end0:
.L_simem_size_0:
called_computation_lowered:
.L_overlay_start_0:
0x88: {  	s2 =	sld [smem:$0x3FD9]  }
0x89: {  	s3 =	sld [smem:$0x3FFE];
	_ =	sdelay $0x1  }
0x8a: {  	s1 =	srdreg.scid  }
0x8b: {  	s0 =	sand.u32 $0x1, s1  }
0x8c: {  	s17 =	sshll.u32 s0, $0xA;
	s2 =	sadd.s32 s3, s2  }
0x8d: {  	s2 =	sadd.s32 s2, s17  }
0x8e: {  	[smem:$0x3FC5] =	sst s2  }
0x8f: {  	_ = 	snop  }
0x90: {  	s2 =	sld [smem:$0x3FC9]  }
0x91: {  	s18 =	sld [smem:$0x3FC7]  }
0x92: {  	s4 =	sld [smem:$0x3FD0];
	(tm) =	ssettm $0x1  }
0x93: {  	s5 =	sld [smem:$0x3FFB];
	_ =	sdelay $0x3  }
0x94: {  	_ =	strace s5  }
0x95: {  	s5 =	sld [smem:$0x3FFC];
	_ =	sdelay $0x3  }
0x96: {  	_ =	strace s5  }
0x97: {  	s5 =	sld [smem:$0x3FFD];
	_ =	sdelay $0x3  }
0x98: {  	_ =	strace s5  }
0x99: {  	_ =	strace $0x8FFFFFFF  }
0x9a: {  	s19 =	sld [smem:$0x3FDB];
	_ =	sdelay $0x1  }
0x9b: {  	s6 =	simm.s32 $_scs_section_size  }
0x9c: {  	s7 =	simm.s32 $_size__tile_overlayer_lowered;
	s8 =	simm.s32 $_tile_overlayer_lowered  }
0x9d: {  	s22 =	simm.s32 $0x1BFF;
	s21 =	sshll.u32 s8, $0x1;
	s5 =	sadd.s32 s6, s19  }
0x9e: {  	s9 =	simm.s32 $0x0;
	s20 =	sshll.u32 s7, $0x1;
	s7 =	sadd.s32 s21, s5  }
0x9f: {  	[timem:s9], [sflag:s22] =	dma.local [hbm:s7], s20  }
0xa0: {  	_ =	swait.ge [sflag:s22], s20  }
0xa1: {  	s6 =	ssub.s32 $0x0, s20;
	[sflag:s22] =	ssyncset.done $0x0  }
0xa2: {  	[sflag:s22] =	ssyncadd.s32 s6;
	_ =	sdelay $0x1  }
0xa3: {  	s23 =	simm.s32 $0x1B8B  }
0xa4: {  	_ =	swait.ge [sflag:s23], $0x1  }
0xa5: {  	[sflag:s23] =	ssyncset.done $0x0  }
0xa6: {  	s25 =	simm.s32 $0x1B8E;
	s24 =	sld [smem:$0x3FFE];
	[sflag:s23] =	ssyncadd.s32 $0xFFFFFFFF  }
0xa7: {  	s26 =	simm.s32 $execute0_lowered;
	[smem:$0x3FD2] =	sst s25  }
0xa8: {  	s7 =	sshll.u32 s26, $0x1;
	_ =	strace $0x80000046;
	[dreg:$0x1] =	wrdreg $0xFFFFFFFF  }
0xa9: {  	s28 =	simm.s32 $_size_execute0_lowered;
	s5 =	sadd.s32 s5, s7;
	[dreg:$0x0] =	wrdreg $0x0  }
0xaa: {  	s7 =	sshll.u32 s28, $0x1;
	[dreg:$0x2] =	wrdreg s5  }
0xab: {  	[dreg:$0x3] =	wrdreg s7  }
0xac: {  	[dreg:$0x4] =	wrdreg $0xC0  }
0xad: {  	_ =	task [dreg:s9], $0x5FFFF  }
0xae: {  	[dreg:$0x1] =	wrdreg $0xFFFFFFFF  }
0xaf: {  	[dreg:$0x0] =	wrdreg $0x60  }
0xb0: {  	[dreg:$0x2] =	wrdreg s2  }
0xb1: {  	[dreg:$0x3] =	wrdreg s4  }
0xb2: {  	[dreg:$0x4] =	wrdreg s18  }
0xb3: {  	[dreg:$0x5] =	wrdreg s24  }
0xb4: {  	[dreg:$0x6] =	wrdreg $0x9  }
0xb5: {  	_ =	task.clear_ibuf [dreg:s9], $0x7FFFF;
	_ =	strace $0x90000046  }
0xb6: {  	s29 =	simm.s32 $0x9;
	_ =	strace $0x80000048  }
0xb7: {  	_ =	swait.ge [sflag:s29], $0x1  }
0xb8: {  	[sflag:s29] =	ssyncadd.s32 $0xFFFFFFFF  }
0xb9: {  	_ =	strace $0x90000048  }
0xba: {  	_ =	sfence  }
0xbb: {  	s30 =	sld [smem:$0x0];
	_ =	sdelay $0x2  }
0xbc: {  	s31 =	sshll.u32 s1, $0xD;
	s1 =	sshrl.u32 s1, $0x2  }
0xbd: {  	s3 =	sand.u32 $0x4000, s31;
	s1 =	sadd.s32 s1, s30  }
0xbe: {  	s0 =	sor.u32 s3, s0;
	s1 =	sshll.u32 s1, $0x11  }
0xbf: {  	s0 =	sor.u32 s1, s0  }
0xc0: {  	s0 =	sadd.s32 $0x8F2B, s0  }
0xc1: {  	[sflag:s0] =	ssyncadd.remote.s32 $0x1  }
0xc2: {  	_ =	sfence.sel $0xFFFF  }
0xc3: {  	[dreg:$0x0] =	wrdreg $0xFFFFFFFF;
	(pc) =	sbr.abs _section_cstart, $3  }
0xc4: {  	[dreg:$0x1] =	wrdreg $0xFFFFFFFF  }
0xc5: {  	_ =	task.clear_ibuf [dreg:s9], $0x2FFFF;
	_ =	strace $0x9FFFFFFF  }
0xc6: {  	(tm) =	ssettm $0x7FFFFFFF  }
0xc7: {  	_ =	shalt  }
tec
execute0_lowered:
.L_overlay_start_1:
0x0: {  	(tag) =	ssettag $0x1  }
0x1: {  	s1 =	srdreg.scid;
	s2 =	stileid.u32  }
0x2: {  	s0 =	rddreg [dreg:$0x0];
	s1 =	sand.u32 $0x1, s1;
	s2 =	sshll.u32 s2, $0x1  }
0x3: {  	s3 =	rddreg [dreg:$0x3];
	s2 =	sor.u32 s1, s2  }
0x4: {  	s6 =	simm.s32 $0x0;
	s1 =	ssub.s32 $0x2, s1;
	s2 =	smul.u32 $0x4800, s2  }
0x5: {  	[smem:$0x7FF] =	sst s6;
	s5 =	sshrl.u32 s1, $0x1  }
0x6: {  	_ =	strace $0x80000047;
	s1 =	ssub.s32 s1, s5;
	s0 =	sadd.s32 s0, s2  }
0x7: {  	s4 =	sshrl.u32 s2, $0x3;
	s31 =	smax.u32 s1, $0x1;
	[dreg:$0x11] =	wrdreg s0  }
.Ltmp0:
0x8: {  	s2 =	sadd.s32 $0x400, s0;
	[dreg:$0x16] =	wrdreg s31;
	(pc) =	sbr.rel .LBB2_1-.Ltmp0, $4  }
0x9: {  	s29 =	sadd.s32 $0x800, s0;
	[dreg:$0x12] =	wrdreg s2  }
0xa: {  	s3 =	sadd.s32 s4, s3;
	s0 =	sadd.s32 $0xC00, s0;
	[dreg:$0x13] =	wrdreg s29  }
0xb: {  	[dreg:$0x14] =	wrdreg s0;
	s30 =	sadd.s32 $0x800, s3  }
0xc: {  	s1 =	simm.s32 $0x0;
	s4 =	simm.s32 $0x3;
	[dreg:$0x15] =	wrdreg s30  }
.LBB2_8:
0xd: {  	s6 =	simm.s32 $0x0  }
0xe: {  	s0 =	rddreg [dreg:$0x15];
	s1 =	simm.s32 $0x10000;
	s4 =	simm.s32 $0x3  }
0xf: {  	[hbm4b:s0+s6] =	stream.linear.scatter [tilespmem:s1], [sflag:$0x3], $0x4800, $0x38;
	[tilespmem:$0x14A80] =	vst v63  }
0x10: {  	_ =	swait.ge [sflag:s4], $0x4800  }
0x11: {  	s30 =	rddreg [dreg:$0x17]  }
0x12: {  	s31 =	rddreg [dreg:$0x16];
	s1 =	sadd.s32 $0x1, s30  }
0x13: {  	p0 =	sne.s32 s1, s31  }
.Ltmp1:
0x14: {  	_ = 	snop;
	(pc) =	sbr.rel @!p0 .LBB2_9-.Ltmp1, $3  }
0x15: {  	_ =	sdelay $0x1  }
0x16: {  	[sflag:s4] =	ssyncset.done $0x0  }
0x17: {  	[sflag:s4] =	ssyncadd.s32 $0xFFFFB800  }
.LBB2_1:
0x18: {  	[dreg:$0x17] =	wrdreg s1  }
0x19: {  	s0 =	rddreg [dreg:$0x11];
	s9 =	simm.s32 $0x2000;
	s2 =	simm.s32 $0x800000  }
0x1a: {  	[tilespmem:s6], [sflag:$0x1] =	stream.strided.gather [hbm4b:s0+s9], $0x8000, s2, s9, $0x38;
	[tilespmem:$0x14A80] =	vst v63  }
0x1b: {  	s10 =	rddreg [dreg:$0x12];
	s3 =	simm.s32 $0x8000  }
0x1c: {  	[tilespmem:s3], [sflag:$0x2] =	stream.strided.gather [hbm4b:s10+s9], $0x8000, s2, s9, $0x38;
	[tilespmem:$0x14A80] =	vst v63  }
0x1d: {  	s11 =	rddreg [dreg:$0x1];
	s12 =	simm.s32 $0x14800  }
0x1e: {  	[tilespmem:s12], [sflag:$0x3] =	stream.linear.gather [hbm4b:s11+s6], $0x200, $0x38;
	[tilespmem:$0x14A80] =	vst v63  }
0x1f: {  	_ =	swait.ge [sflag:s4], $0x200  }
0x20: {  	[sflag:s4] =	ssyncset.done $0x0  }
0x21: {  	[sflag:s4] =	ssyncadd.s32 $0xFFFFFE00  }
0x22: {  	s14 =	simm.s32 $0x14A00;
	s13 =	rddreg [dreg:$0x2]  }
0x23: {  	[tilespmem:s14], [sflag:$0x3] =	stream.linear.gather [hbm4b:s13+s6], $0x80, $0x38;
	[tilespmem:$0x14A80] =	vst v63  }
0x24: {  	_ =	swait.ge [sflag:s4], $0x80  }
0x25: {  	[sflag:s4] =	ssyncset.done $0x0  }
0x26: {  	[sflag:s4] =	ssyncadd.s32 $0xFFFFFF80  }
0x27: {  	v0 =	vld [tilespmem:$0x14A00]  }
0x28: {  	v1 =	vld [tilespmem:$0x14800]  }
0x29: {  	v2 =	vld [tilespmem:$0x14820];
	_ =	sdelay $0x1  }
0x2a: {  	v3 =	vld [tilespmem:$0x14840]  }
0x2b: {  	(v2sf) =	vpush v0, $0x0  }
0x2c: {  	v4 =	vld [tilespmem:$0x14860];
	(v2sf) =	vpush v0, $0x1  }
0x2d: {  	v5 =	vld [tilespmem:$0x148A0];
	v1 =	vadd.f32 v2, v1  }
0x2e: {  	v2 =	vld [tilespmem:$0x14880];
	(v2sf) =	vpush v0, $0x2  }
0x2f: {  	v6 =	vld [tilespmem:$0x14830];
	v1 =	vadd.f32 v3, v1  }
0x30: {  	v3 =	vld [tilespmem:$0x14810];
	(v2sf) =	vpush v0, $0x3  }
0x31: {  	v7 =	vld [tilespmem:$0x14850];
	v1 =	vadd.f32 v4, v1  }
0x32: {  	v4 =	vld [tilespmem:$0x148C0];
	(v2sf) =	vpush v0, $0x4  }
0x33: {  	v8 =	vld [tilespmem:$0x14870];
	v1 =	vadd.f32 v2, v1  }
0x34: {  	(v2sf) =	vpush v0, $0x5;
	v2 =	vld [tilespmem:$0x148E0]  }
0x35: {  	v3 =	vadd.f32 v6, v3;
	v6 =	vld [tilespmem:$0x14890];
	v1 =	vadd.f32 v5, v1  }
0x36: {  	(v2sf) =	vpush v0, $0x6;
	v5 =	vld [tilespmem:$0x14900]  }
0x37: {  	v3 =	vadd.f32 v7, v3;
	v7 =	vld [tilespmem:$0x148B0];
	v1 =	vadd.f32 v4, v1  }
0x38: {  	(v2sf) =	vpush v0, $0x7;
	v4 =	vld [tilespmem:$0x14920]  }
0x39: {  	v3 =	vadd.f32 v8, v3;
	v8 =	vld [tilespmem:$0x148D0];
	v1 =	vadd.f32 v2, v1  }
0x3a: {  	v2 =	vld [tilespmem:$0x14940];
	s15 =	spop (v2sf);
	(v2sf) =	vpush v0, $0x8  }
0x3b: {  	v3 =	vadd.f32 v6, v3;
	v6 =	vld [tilespmem:$0x148F0];
	v1 =	vadd.f32 v5, v1;
	s16 =	spop (v2sf)  }
0x3c: {  	v5 =	vld [tilespmem:$0x14960];
	(v2sf) =	vpush v0, $0x9;
	s0 =	sadd.f32 s16, s15  }
0x3d: {  	v3 =	vadd.f32 v7, v3;
	v7 =	vld [tilespmem:$0x14910];
	v1 =	vadd.f32 v4, v1;
	s17 =	spop (v2sf)  }
0x3e: {  	v4 =	vld [tilespmem:$0x14980];
	(v2sf) =	vpush v0, $0xA;
	s0 =	sadd.f32 s0, s17  }
0x3f: {  	v3 =	vadd.f32 v8, v3;
	v8 =	vld [tilespmem:$0x14930];
	s18 =	spop (v2sf);
	v1 =	vadd.f32 v2, v1  }
0x40: {  	v2 =	vld [tilespmem:$0x149A0];
	(v2sf) =	vpush v0, $0xB;
	s0 =	sadd.f32 s0, s18  }
0x41: {  	s19 =	spop (v2sf);
	v3 =	vadd.f32 v6, v3;
	v6 =	vld [tilespmem:$0x14950];
	v1 =	vadd.f32 v5, v1  }
0x42: {  	(v2sf) =	vpush v0, $0xC;
	v5 =	vld [tilespmem:$0x149C0];
	s0 =	sadd.f32 s0, s19  }
0x43: {  	s20 =	spop (v2sf);
	v3 =	vadd.f32 v7, v3;
	v7 =	vld [tilespmem:$0x14970];
	v1 =	vadd.f32 v4, v1  }
0x44: {  	(v2sf) =	vpush v0, $0xD;
	v4 =	vld [tilespmem:$0x149E0];
	s0 =	sadd.f32 s0, s20  }
0x45: {  	s21 =	spop (v2sf);
	v1 =	vadd.f32 v2, v1;
	v2 =	vadd.f32 v8, v3  }
0x46: {  	(v2sf) =	vpush v0, $0xE;
	v3 =	vld [tilespmem:$0x14990];
	s0 =	sadd.f32 s0, s21  }
0x47: {  	s22 =	spop (v2sf);
	v1 =	vadd.f32 v5, v1;
	v2 =	vadd.f32 v6, v2  }
0x48: {  	(v2sf) =	vpush v0, $0xF;
	v5 =	vld [tilespmem:$0x149B0];
	s0 =	sadd.f32 s0, s22  }
0x49: {  	v15 =	vadd.f32 v4, v1;
	v0 =	vadd.f32 v7, v2;
	s23 =	spop (v2sf)  }
0x4a: {  	v8 =	vld [tilespmem:$0x149D0];
	s0 =	sadd.f32 s0, s23  }
0x4b: {  	v4 =	vadd.f32 v3, v0;
	v0 =	vbroadcast v15, $0x0;
	v1 =	vbroadcast v15, $0x1;
	s24 =	spop (v2sf)  }
0x4c: {  	v12 =	vld [tilespmem:$0x149F0];
	v2 =	vbroadcast v15, $0x2;
	v3 =	vbroadcast v15, $0x3;
	s0 =	sadd.f32 s0, s24  }
0x4d: {  	v6 =	vbroadcast v15, $0x6;
	v7 =	vbroadcast v15, $0x7;
	s25 =	spop (v2sf);
	v9 =	vadd.f32 v5, v4  }
0x4e: {  	v10 =	vbroadcast v15, $0xA;
	v11 =	vbroadcast v15, $0xB;
	s0 =	sadd.f32 s0, s25  }
0x4f: {  	v14 =	vbroadcast v15, $0xE;
	v4 =	vbroadcast v15, $0x4;
	s26 =	spop (v2sf);
	v13 =	vadd.f32 v8, v9  }
0x50: {  	v5 =	vbroadcast v15, $0x5;
	v8 =	vbroadcast v15, $0x8;
	s0 =	sadd.f32 s0, s26  }
0x51: {  	v9 =	vbroadcast v15, $0x9;
	s28 =	spop (v2sf);
	v31 =	vadd.f32 v12, v13;
	v12 =	vbroadcast v15, $0xC  }
0x52: {  	v13 =	vbroadcast v15, $0xD;
	v15 =	vbroadcast v15, $0xF;
	s0 =	sadd.f32 s0, s28  }
0x53: {  	s29 =	spop (v2sf);
	v16 =	vbroadcast v31, $0x0;
	v17 =	vbroadcast v31, $0x1  }
0x54: {  	v18 =	vbroadcast v31, $0x2;
	v19 =	vbroadcast v31, $0x3;
	s0 =	sadd.f32 s0, s29  }
0x55: {  	s30 =	spop (v2sf);
	v20 =	vbroadcast v31, $0x4;
	v21 =	vbroadcast v31, $0x5  }
0x56: {  	v22 =	vbroadcast v31, $0x6;
	v23 =	vbroadcast v31, $0x7;
	s0 =	sadd.f32 s0, s30  }
0x57: {  	s31 =	spop (v2sf);
	v24 =	vbroadcast v31, $0x8;
	v25 =	vbroadcast v31, $0x9  }
0x58: {  	v26 =	vbroadcast v31, $0xA;
	v27 =	vbroadcast v31, $0xB;
	s0 =	sadd.f32 s0, s31  }
0x59: {  	v28 =	vbroadcast v31, $0xC;
	v29 =	vbroadcast v31, $0xD  }
0x5a: {  	s1 =	simm.s32 $0x0;
	v30 =	vbroadcast v31, $0xE;
	v31 =	vbroadcast v31, $0xF;
	v32 =	vmov s0  }
.LBB2_2:
0x5b: {  	s0 =	simm.s32 $0x1  }
0x5c: {  	s22 =	sshll.u32 s1, $0xB;
	s23 =	simm.s32 $0x0;
	s10 =	simm.s32 $0x10  }
0x5d: {  	_ =	swait.ge [sflag:s0], $0x8000;
	[dreg:$0x18] =	wrdreg s1;
	s20 =	sand.u32 $0x1C00, s23  }
0x5e: {  	[dreg:$0x19] =	wrdreg s22;
	s2 =	sadd.s32 $0x10000, s22;
	[sflag:s0] =	ssyncset.done $0x0  }
0x5f: {  	s1 =	sor.u32 $0x6200, s20;
	[sflag:s0] =	ssyncadd.s32 $0xFFFF8000;
	s0 =	sand.u32 $0x70, s10  }
0x60: {  	[dreg:$0x5] =	wrdreg s2;
	s2 =	sor.u32 $0x6280, s20;
	s4 =	sor.u32 s0, s1  }
0x61: {  	s3 =	sor.u32 $0x6000, s20;
	s24 =	sor.u32 s0, s2;
	v33 =	vld [tilespmem:s4+$0x0]  }
0x62: {  	s6 =	sor.u32 $0x6080, s20;
	s7 =	sor.u32 s0, s3;
	v34 =	vld [tilespmem:s24+$0x0]  }
0x63: {  	s5 =	sor.u32 $0x4200, s20;
	s25 =	sor.u32 s0, s6;
	v35 =	vld [tilespmem:s7+$0x0]  }
0x64: {  	s8 =	sor.u32 $0x4000, s20;
	s9 =	sor.u32 s0, s5;
	v36 =	vld [tilespmem:s25+$0x0]  }
0x65: {  	s11 =	sor.u32 $0x2200, s20;
	s12 =	sor.u32 s0, s8;
	v37 =	vld [tilespmem:s9+$0x0]  }
0x66: {  	s21 =	sor.u32 $0x2080, s20;
	s13 =	sor.u32 s0, s11;
	v39 =	vld [tilespmem:s12+$0x0]  }
0x67: {  	s15 =	sor.u32 s0, s21;
	v41 =	vld [tilespmem:s13+$0x0]  }
0x68: {  	s16 =	sor.u32 s0, s20;
	v44 =	vld [tilespmem:s15+$0x0]  }
0x69: {  	v45 =	vld [tilespmem:s16+$0x0]  }
0x6a: {  	v46 =	vld [tilespmem:s16+$0x80]  }
0x6b: {  	v47 =	vld [tilespmem:s16+$0x100]  }
0x6c: {  	v48 =	vld [tilespmem:s16+$0x180]  }
0x6d: {  	s10 =	sor.u32 s10, s23;
	v49 =	vld [tilespmem:s16+$0x200]  }
0x6e: {  	s28 =	sor.u32 $0x2100, s20;
	s10 =	sor.u32 $0x380, s10;
	v50 =	vld [tilespmem:s16+$0x280]  }
0x6f: {  	s18 =	sor.u32 s0, s28;
	s4 =	sor.u32 $0x4280, s20;
	v51 =	vld [tilespmem:s10+$0x0]  }
0x70: {  	s7 =	sor.u32 $0x4080, s20;
	v53 =	vld [tilespmem:s18+$0x0];
	s26 =	sor.u32 s0, s4  }
0x71: {  	s17 =	sand.u32 $0x7, s23;
	s9 =	sor.u32 $0x2280, s20;
	s31 =	sor.u32 s0, s7;
	v38 =	vld [tilespmem:s26+$0x0]  }
0x72: {  	s24 =	sor.u32 $0x2000, s20;
	s12 =	sshll.u32 s17, $0x4;
	s13 =	sor.u32 s0, s9;
	v40 =	vld [tilespmem:s31+$0x0]  }
0x73: {  	s18 =	sor.u32 $0x4180, s20;
	s14 =	sor.u32 s0, s24;
	s12 =	sadd.s32 $0x0, s12;
	v42 =	vld [tilespmem:s13+$0x0]  }
0x74: {  	s15 =	sor.u32 s0, s18;
	v43 =	vld [tilespmem:s14+$0x0];
	s12 =	sadd.s32 $0x10, s12  }
0x75: {  	s25 =	sor.u32 $0x2300, s20;
	v58 =	vld [tilespmem:s15+$0x0];
	s12 =	sor.u32 $0x300, s12  }
0x76: {  	s17 =	sor.u32 $0x4100, s20;
	s31 =	sor.u32 s0, s25;
	v52 =	vld [tilespmem:s12+$0x0]  }
0x77: {  	s26 =	sor.u32 $0x2180, s20;
	s13 =	sor.u32 s0, s17;
	v55 =	vld [tilespmem:s31+$0x0]  }
0x78: {  	s22 =	sor.u32 $0x2380, s20;
	s19 =	sor.u32 s0, s26;
	v57 =	vld [tilespmem:s13+$0x0]  }
0x79: {  	s14 =	sor.u32 $0x4300, s20;
	v54 =	vld [tilespmem:s19+$0x0];
	s12 =	sor.u32 s0, s22;
	v45 =	vmul.f32 v45, v0;
	v49 =	vmul.f32 v49, v4  }
0x7a: {  	s16 =	sor.u32 s0, s14;
	v46 =	vmul.f32 v46, v1;
	v56 =	vld [tilespmem:s12+$0x0];
	v50 =	vmul.f32 v50, v5;
	s12 =	sor.u32 $0x4380, s20  }
0x7b: {  	s10 =	sor.u32 $0x6100, s20;
	v47 =	vmul.f32 v47, v2;
	s19 =	sor.u32 s0, s12;
	v45 =	vadd.f32 v49, v45;
	v49 =	vld [tilespmem:s16+$0x0];
	v52 =	vmul.f32 v52, v6  }
0x7c: {  	s15 =	sor.u32 s0, s10;
	s13 =	sor.u32 $0x6180, s20;
	v48 =	vmul.f32 v48, v3;
	v51 =	vmul.f32 v51, v7;
	v46 =	vadd.f32 v50, v46;
	v50 =	vld [tilespmem:s19+$0x0]  }
0x7d: {  	v33 =	vmul.f32 v33, v28;
	v43 =	vmul.f32 v43, v8;
	s16 =	sand.u32 $0x3, s23;
	s19 =	sor.u32 s0, s13;
	v47 =	vadd.f32 v52, v47;
	v52 =	vld [tilespmem:s15+$0x0];
	s15 =	sor.u32 $0x6300, s20  }
0x7e: {  	v44 =	vmul.f32 v44, v9;
	v36 =	vmul.f32 v36, v25;
	v48 =	vadd.f32 v51, v48;
	v51 =	vld [tilespmem:s19+$0x0];
	s31 =	sshll.u32 s16, $0x5;
	s16 =	sor.u32 $0x6380, s20;
	s29 =	sor.u32 s0, s15  }
0x7f: {  	v53 =	vmul.f32 v53, v10;
	v37 =	vmul.f32 v37, v20;
	v43 =	vadd.f32 v43, v45;
	s19 =	sadd.s32 $0x0, s31;
	v45 =	vld [tilespmem:s29+$0x0];
	s29 =	sor.u32 s0, s16  }
0x80: {  	v41 =	vmul.f32 v41, v12;
	v39 =	vmul.f32 v39, v16;
	v44 =	vadd.f32 v44, v46;
	v46 =	vld [tilespmem:s29+$0x0];
	s29 =	sor.u32 $0x300, s19;
	s19 =	sand.u32 $0x60, s23  }
0x81: {  	v42 =	vmul.f32 v42, v13;
	v54 =	vmul.f32 v54, v11;
	v47 =	vadd.f32 v53, v47;
	v53 =	vld [tilespmem:s29+$0x0];
	s20 =	sor.u32 s19, s20  }
0x82: {  	v38 =	vmul.f32 v38, v21;
	v40 =	vmul.f32 v40, v17;
	v41 =	vadd.f32 v41, v43;
	v43 =	vld [tilespmem:s20+$0x0]  }
0x83: {  	v60 =	vmul.f32 v56, v15;
	v48 =	vadd.f32 v54, v48;
	v42 =	vadd.f32 v42, v44;
	v56 =	vld [tilespmem:s20+$0x80]  }
0x84: {  	v62 =	vmul.f32 v58, v19;
	v63 =	vmul.f32 v55, v14;
	v55 =	vld [tilespmem:s20+$0x100]  }
0x85: {  	v61 =	vmul.f32 v57, v18;
	v48 =	vadd.f32 v60, v48;
	v40 =	vadd.f32 v40, v42;
	v42 =	vld [tilespmem:s20+$0x180]  }
0x86: {  	v39 =	vadd.f32 v39, v41;
	v47 =	vadd.f32 v63, v47;
	v63 =	vmul.f32 v49, v22;
	s29 =	sor.u32 s23, s23;
	v49 =	vld [tilespmem:s20+$0x200]  }
0x87: {  	v57 =	vmul.f32 v50, v23;
	v54 =	vadd.f32 v62, v48;
	v38 =	vadd.f32 v38, v40;
	v50 =	vld [tilespmem:s20+$0x280];
	s31 =	sor.u32 $0x380, s29  }
0x88: {  	v35 =	vmul.f32 v35, v24;
	v37 =	vadd.f32 v37, v39;
	s21 =	sor.u32 s19, s21;
	v44 =	vadd.f32 v61, v47;
	v40 =	vld [tilespmem:s31+$0x0]  }
0x89: {  	v60 =	vmul.f32 v51, v27;
	s31 =	sor.u32 s19, s24;
	v59 =	vadd.f32 v57, v54;
	v36 =	vadd.f32 v36, v38;
	v38 =	vld [tilespmem:s21+$0x0]  }
0x8a: {  	v34 =	vmul.f32 v34, v29;
	v58 =	vmul.f32 v52, v26;
	v35 =	vadd.f32 v35, v37;
	s24 =	sor.u32 s19, s28;
	v48 =	vld [tilespmem:s31+$0x0]  }
0x8b: {  	s26 =	sor.u32 s19, s26;
	v61 =	vmul.f32 v45, v30;
	v45 =	vld [tilespmem:s24+$0x0];
	v41 =	vadd.f32 v63, v44;
	v62 =	vadd.f32 v60, v59  }
0x8c: {  	s9 =	sor.u32 s19, s9;
	v63 =	vmul.f32 v46, v31;
	v33 =	vadd.f32 v33, v35;
	v34 =	vadd.f32 v34, v36;
	v35 =	vld [tilespmem:s26+$0x0]  }
0x8d: {  	s31 =	sor.u32 s19, s25;
	v44 =	vld [tilespmem:s9+$0x0];
	v53 =	vmul.f32 v53, v6;
	v39 =	vadd.f32 v58, v41;
	v43 =	vmul.f32 v43, v0  }
0x8e: {  	s8 =	sor.u32 s19, s8;
	v36 =	vld [tilespmem:s31+$0x0];
	v52 =	vadd.f32 v63, v62;
	v54 =	vmul.f32 v56, v1;
	v57 =	vmul.f32 v55, v2  }
0x8f: {  	s17 =	sor.u32 s19, s17;
	v33 =	vadd.f32 v34, v33;
	v58 =	vmul.f32 v49, v4;
	v59 =	vmul.f32 v50, v5;
	v50 =	vld [tilespmem:s8+$0x0]  }
0x90: {  	s11 =	sor.u32 s19, s11;
	v42 =	vmul.f32 v42, v3;
	v63 =	vld [tilespmem:s17+$0x0];
	v40 =	vmul.f32 v40, v7;
	v51 =	vadd.f32 v61, v39  }
0x91: {  	v38 =	vmul.f32 v38, v9;
	v39 =	vld [tilespmem:s11+$0x0];
	s11 =	sor.u32 s19, s22;
	v37 =	vadd.f32 v53, v57;
	v60 =	vadd.f32 v58, v43  }
0x92: {  	s7 =	sor.u32 s19, s7;
	v61 =	vadd.f32 v59, v54;
	v62 =	vmul.f32 v48, v8;
	v49 =	vld [tilespmem:s11+$0x0];
	v35 =	vmul.f32 v35, v11  }
0x93: {  	s20 =	sor.u32 s19, s18;
	v43 =	vld [tilespmem:s7+$0x0];
	v40 =	vadd.f32 v40, v42;
	v55 =	vmul.f32 v44, v13;
	v57 =	vmul.f32 v36, v14  }
0x94: {  	s5 =	sor.u32 s19, s5;
	v53 =	vld [tilespmem:s20+$0x0];
	v56 =	vadd.f32 v52, v51;
	v52 =	vmul.f32 v45, v10;
	v34 =	vadd.f32 v62, v60  }
0x95: {  	s4 =	sor.u32 s19, s4;
	s3 =	sor.u32 s19, s3;
	v54 =	vld [tilespmem:s5+$0x0];
	v38 =	vadd.f32 v38, v61;
	v40 =	vadd.f32 v35, v40;
	v60 =	vmul.f32 v50, v16  }
0x96: {  	s30 =	sor.u32 s19, s1;
	s29 =	sor.u32 s19, s2;
	s31 =	sor.u32 s19, s10;
	v61 =	vmul.f32 v63, v18;
	v33 =	vadd.f32 v56, v33;
	v37 =	vadd.f32 v52, v37;
	v56 =	vld [tilespmem:s4+$0x0]  }
0x97: {  	s21 =	rddreg [dreg:$0x5];
	s28 =	simm.s32 $0x0;
	s26 =	sor.u32 s19, s12;
	v36 =	vld [tilespmem:s31+$0x0];
	v58 =	vadd.f32 v55, v38;
	v39 =	vmul.f32 v39, v12;
	v59 =	vmul.f32 v49, v15  }
0x98: {  	s24 =	sor.u32 s19, s14;
	s25 =	sor.u32 s19, s6;
	s22 =	sand.u32 $0x380, s23;
	v35 =	vld [tilespmem:s26+$0x0];
	v43 =	vmul.f32 v43, v17;
	v47 =	vadd.f32 v33, v32;
	v37 =	vadd.f32 v57, v37  }
0x99: {  	s7 =	sor.u32 s19, s13;
	s13 =	sor.u32 s19, s16;
	s5 =	sadd.s32 s22, s21;
	v63 =	vmul.f32 v53, v19;
	v33 =	vld [tilespmem:s24+$0x0];
	v39 =	vadd.f32 v39, v34;
	v62 =	vadd.f32 v59, v40  }
0x9a: {  	s11 =	sor.u32 s19, s15;
	s10 =	sadd.s32 s19, s5;
	s0 =	sadd.s32 s0, s5;
	v34 =	vld [tilespmem:s3+$0x0];
	v41 =	vadd.f32 v43, v58;
	v43 =	vmul.f32 v54, v20;
	v38 =	vadd.f32 v61, v37  }
0x9b: {  	s26 =	simm.s32 $0x0;
	s24 =	simm.s32 $0x0;
	v37 =	vld [tilespmem:s25+$0x0];
	[tilespmem:s0+$0x0] =	vst v47;
	s25 =	simm.s32 $0x1;
	v40 =	vadd.f32 v60, v39;
	v42 =	vmul.f32 v56, v21;
	v39 =	vadd.f32 v63, v62  }
.LBB2_3:
0x9c: {  	v52 =	vld [tilespmem:s7+$0x0]  }
0x9d: {  	s0 =	sand.u32 $0x3, s25;
	v53 =	vld [tilespmem:s30+$0x0];
	s23 =	sadd.s32 $0x100, s23;
	s26 =	sadd.s32 $0x20, s26  }
0x9e: {  	v54 =	vld [tilespmem:s29+$0x0];
	s0 =	sshll.u32 s0, $0x5;
	s15 =	sand.u32 $0x1C00, s23;
	s1 =	sadd.s32 $0x10, s26  }
0x9f: {  	v55 =	vld [tilespmem:s11+$0x0];
	s5 =	sadd.s32 s0, s23;
	s3 =	sor.u32 $0x6200, s15;
	s0 =	sand.u32 $0x70, s1  }
0xa0: {  	v56 =	vld [tilespmem:s13+$0x0];
	s4 =	sor.u32 $0x6280, s15;
	s6 =	sor.u32 s0, s3  }
0xa1: {  	s11 =	sor.u32 $0x6080, s15;
	s8 =	sor.u32 s0, s4;
	v44 =	vld [tilespmem:s6+$0x0]  }
0xa2: {  	s2 =	sand.u32 $0x60, s26;
	s1 =	sor.u32 s1, s23;
	s12 =	sor.u32 s0, s11;
	v58 =	vld [tilespmem:s8+$0x0]  }
0xa3: {  	s20 =	sor.u32 $0x300, s5;
	s5 =	sor.u32 $0x6000, s15;
	s1 =	sor.u32 $0x380, s1;
	v61 =	vld [tilespmem:s12+$0x0]  }
0xa4: {  	s31 =	sor.u32 s26, s23;
	s14 =	sor.u32 $0x4280, s15;
	s9 =	sor.u32 s0, s5;
	v51 =	vld [tilespmem:s1+$0x0]  }
0xa5: {  	s19 =	sor.u32 $0x380, s31;
	s17 =	sor.u32 s0, s14;
	s8 =	sor.u32 $0x4200, s15;
	v60 =	vld [tilespmem:s9+$0x0]  }
0xa6: {  	s16 =	sor.u32 $0x4000, s15;
	s21 =	sor.u32 $0x4080, s15;
	v33 =	vmul.f32 v33, v22;
	v59 =	vmul.f32 v53, v28;
	s7 =	sor.u32 s0, s8;
	v53 =	vld [tilespmem:s17+$0x0]  }
0xa7: {  	s12 =	sor.u32 s2, s14;
	s13 =	sor.u32 s2, s8;
	s8 =	sor.u32 s0, s16;
	v63 =	vld [tilespmem:s7+$0x0]  }
0xa8: {  	s22 =	sor.u32 $0x2200, s15;
	[dreg:$0xb] =	wrdreg s12;
	s12 =	sor.u32 s0, s21;
	v33 =	vadd.f32 v33, v38;
	v38 =	vmul.f32 v54, v29;
	v54 =	vld [tilespmem:s8+$0x0]  }
0xa9: {  	s31 =	sor.u32 s2, s21;
	v62 =	vmul.f32 v55, v30;
	s17 =	sor.u32 $0x2000, s15;
	s7 =	sor.u32 s0, s22;
	v55 =	vld [tilespmem:s12+$0x0]  }
0xaa: {  	v57 =	vmul.f32 v52, v27;
	v52 =	vmul.f32 v56, v31;
	s21 =	sor.u32 $0x2080, s15;
	s12 =	sor.u32 s2, s17;
	s17 =	sor.u32 s0, s17;
	v56 =	vld [tilespmem:s7+$0x0]  }
0xab: {  	v40 =	vadd.f32 v43, v40;
	v35 =	vmul.f32 v35, v23;
	s18 =	sor.u32 s2, s16;
	s14 =	sor.u32 s2, s22;
	s22 =	sor.u32 s0, s21;
	v45 =	vld [tilespmem:s17+$0x0]  }
0xac: {  	v41 =	vadd.f32 v42, v41;
	v34 =	vmul.f32 v34, v24;
	v37 =	vmul.f32 v37, v25;
	[dreg:$0x10] =	wrdreg s18;
	s8 =	sor.u32 s2, s11;
	s11 =	sor.u32 s0, s15;
	v46 =	vld [tilespmem:s22+$0x0]  }
0xad: {  	s28 =	sadd.s32 $0x2, s28;
	v36 =	vmul.f32 v36, v26;
	v35 =	vadd.f32 v35, v39;
	[dreg:$0x9] =	wrdreg s13;
	s13 =	sor.u32 $0x2280, s15;
	v47 =	vld [tilespmem:s11+$0x0]  }
0xae: {  	v34 =	vadd.f32 v34, v40;
	v37 =	vadd.f32 v37, v41;
	s16 =	sor.u32 s2, s13;
	s18 =	sor.u32 s0, s13;
	v48 =	vld [tilespmem:s11+$0x80];
	s13 =	sand.u32 $0x7, s28  }
0xaf: {  	s29 =	sor.u32 s2, s4;
	v35 =	vadd.f32 v57, v35;
	v49 =	vld [tilespmem:s11+$0x100];
	v33 =	vadd.f32 v36, v33;
	s4 =	sshll.u32 s13, $0x4  }
0xb0: {  	v50 =	vld [tilespmem:s11+$0x180];
	v34 =	vadd.f32 v59, v34;
	v37 =	vadd.f32 v38, v37;
	s4 =	sadd.s32 s23, s4  }
0xb1: {  	v57 =	vld [tilespmem:s18+$0x0];
	v35 =	vadd.f32 v52, v35;
	v33 =	vadd.f32 v62, v33;
	s17 =	sadd.s32 $0x10, s4  }
0xb2: {  	s30 =	sor.u32 s2, s3;
	v59 =	vld [tilespmem:s11+$0x280];
	s18 =	sor.u32 $0x2100, s15;
	s3 =	sor.u32 $0x300, s17  }
0xb3: {  	s1 =	sor.u32 $0x2300, s15;
	s22 =	sor.u32 s0, s18;
	v34 =	vadd.f32 v37, v34;
	v33 =	vadd.f32 v35, v33;
	v52 =	vld [tilespmem:s3+$0x0]  }
0xb4: {  	s5 =	sor.u32 s2, s5;
	s7 =	sor.u32 s0, s1;
	s13 =	sor.u32 $0x2380, s15;
	v40 =	vmul.f32 v53, v21;
	v53 =	vld [tilespmem:s22+$0x0]  }
0xb5: {  	[dreg:$0xc] =	wrdreg s5;
	s5 =	sor.u32 s0, s13;
	v51 =	vmul.f32 v51, v7;
	v37 =	vmul.f32 v55, v17;
	v55 =	vld [tilespmem:s7+$0x0];
	v33 =	vadd.f32 v33, v34  }
0xb6: {  	s9 =	sor.u32 s2, s21;
	s21 =	sor.u32 $0x2180, s15;
	v36 =	vmul.f32 v54, v16;
	v38 =	vmul.f32 v56, v12;
	v56 =	vld [tilespmem:s5+$0x0]  }
0xb7: {  	s17 =	sor.u32 $0x4100, s15;
	v48 =	vmul.f32 v48, v1;
	v34 =	vmul.f32 v58, v29;
	v58 =	vld [tilespmem:s11+$0x200];
	s11 =	sor.u32 s0, s21;
	v33 =	vadd.f32 v33, v32  }
0xb8: {  	v49 =	vmul.f32 v49, v2;
	v54 =	vld [tilespmem:s11+$0x0];
	s11 =	sor.u32 s0, s17;
	v52 =	vmul.f32 v52, v6  }
0xb9: {  	s6 =	sor.u32 s2, s15;
	[dreg:$0xd] =	wrdreg s8;
	v50 =	vmul.f32 v50, v3;
	v35 =	vmul.f32 v57, v13;
	v57 =	vld [tilespmem:s11+$0x0];
	[tilespmem:s10+$0x0] =	vst v33  }
0xba: {  	s8 =	sor.u32 s2, s1;
	v33 =	vmul.f32 v44, v28;
	s10 =	sor.u32 s2, s18;
	s18 =	sor.u32 $0x4180, s15;
	v44 =	vmul.f32 v59, v5;
	v49 =	vadd.f32 v52, v49;
	v52 =	vld [tilespmem:s20+$0x0]  }
0xbb: {  	v42 =	vmul.f32 v60, v24;
	s22 =	sor.u32 $0x4300, s15;
	v39 =	vmul.f32 v63, v20;
	s3 =	sor.u32 s2, s13;
	v50 =	vadd.f32 v51, v50;
	s7 =	sor.u32 s0, s18;
	v51 =	vld [tilespmem:s19+$0x0]  }
0xbc: {  	v46 =	vmul.f32 v46, v9;
	v47 =	vmul.f32 v47, v0;
	s13 =	sor.u32 $0x6100, s15;
	s5 =	sor.u32 s2, s18;
	s18 =	sor.u32 s0, s22;
	v44 =	vadd.f32 v44, v48;
	v48 =	vld [tilespmem:s7+$0x0]  }
0xbd: {  	s1 =	sor.u32 $0x4380, s15;
	v60 =	vmul.f32 v53, v10;
	v43 =	vmul.f32 v58, v4;
	v62 =	vld [tilespmem:s18+$0x0];
	s18 =	sor.u32 s2, s13;
	s13 =	sor.u32 s0, s13  }
0xbe: {  	s4 =	sor.u32 s2, s21;
	s21 =	sor.u32 s2, s17;
	s17 =	sor.u32 s2, s22;
	v63 =	vmul.f32 v55, v14;
	v55 =	vmul.f32 v56, v15;
	v56 =	vld [tilespmem:s13+$0x0]  }
0xbf: {  	s11 =	sor.u32 $0x6180, s15;
	s22 =	sor.u32 s2, s1;
	s1 =	sor.u32 s0, s1;
	v43 =	vadd.f32 v43, v47;
	v47 =	vadd.f32 v60, v49;
	v49 =	vld [tilespmem:s6+$0x280]  }
0xc0: {  	v41 =	vmul.f32 v61, v25;
	v61 =	vmul.f32 v54, v11;
	s7 =	sor.u32 s2, s11;
	s13 =	sor.u32 s0, s11;
	v44 =	vadd.f32 v46, v44;
	v46 =	vld [tilespmem:s1+$0x0];
	s1 =	sor.u32 $0x6300, s15  }
0xc1: {  	v45 =	vmul.f32 v45, v8;
	s15 =	sor.u32 $0x6380, s15;
	v59 =	vld [tilespmem:s13+$0x0];
	s11 =	sor.u32 s2, s1;
	s1 =	sor.u32 s0, s1  }
0xc2: {  	v54 =	vadd.f32 v61, v50;
	s13 =	sor.u32 s2, s15;
	s15 =	sor.u32 s0, s15;
	v61 =	vld [tilespmem:s1+$0x0]  }
0xc3: {  	v58 =	vmul.f32 v57, v18;
	v43 =	vadd.f32 v45, v43;
	v45 =	vadd.f32 v63, v47;
	v63 =	vld [tilespmem:s15+$0x0]  }
0xc4: {  	v35 =	vadd.f32 v35, v44;
	v60 =	vadd.f32 v55, v54;
	v54 =	vld [tilespmem:s6+$0x0]  }
0xc5: {  	v38 =	vadd.f32 v38, v43;
	v48 =	vmul.f32 v48, v19;
	v43 =	vadd.f32 v58, v45;
	v58 =	vld [tilespmem:s6+$0x100]  }
0xc6: {  	v62 =	vmul.f32 v62, v22;
	v45 =	vld [tilespmem:s8+$0x0];
	v35 =	vadd.f32 v37, v35  }
0xc7: {  	v55 =	vmul.f32 v56, v26;
	v56 =	vld [tilespmem:s6+$0x80];
	v36 =	vadd.f32 v36, v38;
	v53 =	vadd.f32 v48, v60  }
0xc8: {  	v46 =	vmul.f32 v46, v23;
	v37 =	vadd.f32 v62, v43;
	v44 =	vmul.f32 v59, v27;
	v60 =	vld [tilespmem:s6+$0x180]  }
0xc9: {  	v62 =	vld [tilespmem:s6+$0x200];
	v35 =	vadd.f32 v40, v35;
	v40 =	vmul.f32 v51, v7;
	v36 =	vadd.f32 v39, v36  }
0xca: {  	v51 =	vld [tilespmem:s31+$0x0];
	v57 =	vadd.f32 v46, v53;
	v59 =	vmul.f32 v61, v30;
	v38 =	vmul.f32 v63, v31  }
0xcb: {  	v37 =	vadd.f32 v55, v37;
	v63 =	vmul.f32 v52, v6;
	v48 =	vmul.f32 v54, v0;
	v53 =	vld [tilespmem:s12+$0x0]  }
0xcc: {  	v35 =	vadd.f32 v41, v35;
	v52 =	vmul.f32 v58, v2;
	v58 =	vld [tilespmem:s10+$0x0];
	v36 =	vadd.f32 v42, v36  }
0xcd: {  	s19 =	rddreg [dreg:$0x10];
	v61 =	vadd.f32 v44, v57;
	v37 =	vadd.f32 v59, v37;
	v50 =	vmul.f32 v56, v1;
	v56 =	vld [tilespmem:s9+$0x0]  }
0xce: {  	v59 =	vmul.f32 v49, v5;
	v49 =	vld [tilespmem:s19+$0x0];
	v34 =	vadd.f32 v34, v35;
	v57 =	vmul.f32 v62, v4  }
0xcf: {  	v55 =	vmul.f32 v60, v3;
	v60 =	vld [tilespmem:s4+$0x0];
	v33 =	vadd.f32 v33, v36;
	v38 =	vadd.f32 v38, v61  }
0xd0: {  	v41 =	vadd.f32 v63, v52;
	v63 =	vld [tilespmem:s16+$0x0];
	v35 =	vadd.f32 v57, v48  }
0xd1: {  	v61 =	vld [tilespmem:s14+$0x0];
	v62 =	vmul.f32 v53, v8;
	v33 =	vadd.f32 v34, v33;
	v54 =	vadd.f32 v38, v37  }
0xd2: {  	v48 =	vld [tilespmem:s3+$0x0];
	v34 =	vadd.f32 v59, v50;
	v37 =	vadd.f32 v40, v55  }
0xd3: {  	v53 =	vld [tilespmem:s21+$0x0];
	v47 =	vmul.f32 v58, v10;
	v38 =	vmul.f32 v56, v9;
	v46 =	vadd.f32 v62, v35  }
0xd4: {  	s20 =	rddreg [dreg:$0x9];
	v55 =	vld [tilespmem:s5+$0x0];
	v59 =	vmul.f32 v49, v16;
	v33 =	vadd.f32 v54, v33;
	v36 =	vmul.f32 v60, v11  }
0xd5: {  	s24 =	sadd.s32 $0x2, s24;
	v57 =	vld [tilespmem:s20+$0x0];
	s21 =	rddreg [dreg:$0xb];
	v35 =	vadd.f32 v47, v41;
	v52 =	vmul.f32 v63, v13;
	v54 =	vmul.f32 v45, v14  }
0xd6: {  	p0 =	slt.u32 s24, $0x3E;
	s15 =	sand.u32 $0x380, s26;
	s12 =	rddreg [dreg:$0x5];
	v60 =	vld [tilespmem:s21+$0x0];
	v34 =	vadd.f32 v38, v34;
	v50 =	vmul.f32 v61, v12;
	v33 =	vadd.f32 v33, v32  }
.Ltmp2:
0xd7: {  	s31 =	rddreg [dreg:$0xd];
	s1 =	sadd.s32 s15, s12;
	v36 =	vadd.f32 v36, v37;
	v56 =	vmul.f32 v48, v15;
	v58 =	vadd.f32 v54, v35;
	v35 =	vld [tilespmem:s22+$0x0];
	(pc) =	sbr.rel @p0 .LBB2_3-.Ltmp2, $4  }
0xd8: {  	s0 =	sadd.s32 s0, s1;
	v61 =	vmul.f32 v51, v17;
	v37 =	vld [tilespmem:s31+$0x0];
	v41 =	vadd.f32 v50, v46;
	v34 =	vadd.f32 v52, v34  }
0xd9: {  	v62 =	vmul.f32 v53, v18;
	s22 =	rddreg [dreg:$0xc];
	v63 =	vmul.f32 v55, v19;
	[tilespmem:s0+$0x0] =	vst v33;
	v36 =	vadd.f32 v56, v36;
	v33 =	vld [tilespmem:s17+$0x0]  }
0xda: {  	v43 =	vmul.f32 v57, v20;
	v40 =	vadd.f32 v59, v41;
	v41 =	vadd.f32 v61, v34;
	v34 =	vld [tilespmem:s22+$0x0]  }
0xdb: {  	s25 =	sadd.s32 $0x1, s25;
	s10 =	sadd.s32 s2, s1;
	v38 =	vadd.f32 v62, v58;
	v42 =	vmul.f32 v60, v21;
	v39 =	vadd.f32 v63, v36;
	v36 =	vld [tilespmem:s18+$0x0]  }
0xdc: {  	v44 =	vld [tilespmem:s7+$0x0]  }
0xdd: {  	v45 =	vld [tilespmem:s30+$0x0]  }
0xde: {  	v46 =	vld [tilespmem:s29+$0x0]  }
0xdf: {  	v47 =	vld [tilespmem:s11+$0x0];
	v35 =	vmul.f32 v35, v23  }
0xe0: {  	v51 =	vld [tilespmem:s13+$0x0];
	v41 =	vadd.f32 v42, v41;
	v37 =	vmul.f32 v37, v25  }
0xe1: {  	v40 =	vadd.f32 v43, v40;
	v33 =	vmul.f32 v33, v22;
	v35 =	vadd.f32 v35, v39  }
0xe2: {  	v34 =	vmul.f32 v34, v24;
	v37 =	vadd.f32 v37, v41;
	v36 =	vmul.f32 v36, v26  }
0xe3: {  	v33 =	vadd.f32 v33, v38;
	v52 =	vmul.f32 v44, v27;
	v53 =	vmul.f32 v45, v28  }
0xe4: {  	v34 =	vadd.f32 v34, v40;
	v54 =	vmul.f32 v46, v29;
	v55 =	vmul.f32 v47, v30  }
0xe5: {  	v56 =	vmul.f32 v51, v31;
	v33 =	vadd.f32 v36, v33;
	v35 =	vadd.f32 v52, v35  }
0xe6: {  	v34 =	vadd.f32 v53, v34;
	v57 =	vadd.f32 v54, v37  }
0xe7: {  	v33 =	vadd.f32 v55, v33;
	v35 =	vadd.f32 v56, v35;
	_ =	sdelay $0x1  }
0xe8: {  	v34 =	vadd.f32 v57, v34;
	v33 =	vadd.f32 v35, v33;
	_ =	sdelay $0x1  }
0xe9: {  	s0 =	rddreg [dreg:$0x18];
	v33 =	vadd.f32 v33, v34  }
0xea: {  	s4 =	rddreg [dreg:$0x19]  }
0xeb: {  	p0 =	seq.s32 s0, $0x8;
	s0 =	rddreg [dreg:$0x13];
	v33 =	vadd.f32 v33, v32  }
0xec: {  	s16 =	simm.s32 $0x2;
	s0 =	sadd.s32 @!p0 s4, s0  }
0xed: {  	s1 =	simm.s32 @!p0 $0x2000;
	s2 =	simm.s32 @!p0 $0x800000;
	s3 =	simm.s32 @!p0 $0x0;
	[tilespmem:s10+$0x0] =	vst v33  }
0xee: {  	[tilespmem:s3], [sflag:$0x1] =	stream.strided.gather @!p0 [hbm4b:s0+s1], $0x8000, s2, s1, $0x38;
	[tilespmem:$0x14A80] =	vst v63  }
0xef: {  	s23 =	simm.s32 $0x0;
	s11 =	simm.s32 $0x10;
	_ =	swait.ge [sflag:s16], $0x8000  }
0xf0: {  	s17 =	sadd.s32 $0x10400, s4;
	s0 =	sand.u32 $0x70, s11;
	[sflag:s16] =	ssyncset.done $0x0  }
0xf1: {  	s11 =	sor.u32 s11, s23;
	[sflag:s16] =	ssyncadd.s32 $0xFFFF8000;
	s16 =	sand.u32 $0x1C00, s23  }
0xf2: {  	[dreg:$0x6] =	wrdreg s17;
	s11 =	sor.u32 $0x380, s11;
	s1 =	sor.u32 $0xE200, s16  }
0xf3: {  	s2 =	sor.u32 $0xE280, s16;
	v51 =	vld [tilespmem:s11+$0x8000];
	s18 =	sor.u32 s0, s1  }
0xf4: {  	s3 =	sor.u32 $0xE000, s16;
	s19 =	sor.u32 s0, s2;
	v58 =	vld [tilespmem:s18+$0x0]  }
0xf5: {  	s6 =	sor.u32 $0xE080, s16;
	s20 =	sor.u32 s0, s3;
	v59 =	vld [tilespmem:s19+$0x0]  }
0xf6: {  	s5 =	sor.u32 $0xC200, s16;
	s21 =	sor.u32 s0, s6;
	v35 =	vld [tilespmem:s20+$0x0]  }
0xf7: {  	s4 =	sor.u32 $0xC280, s16;
	s9 =	sor.u32 s0, s5;
	v36 =	vld [tilespmem:s21+$0x0]  }
0xf8: {  	s8 =	sor.u32 $0xC000, s16;
	s22 =	sor.u32 s0, s4;
	v37 =	vld [tilespmem:s9+$0x0]  }
0xf9: {  	s7 =	sor.u32 $0xC080, s16;
	s12 =	sor.u32 s0, s8;
	v38 =	vld [tilespmem:s22+$0x0]  }
0xfa: {  	s10 =	sor.u32 $0xA200, s16;
	s24 =	sor.u32 s0, s7;
	v39 =	vld [tilespmem:s12+$0x0]  }
0xfb: {  	s28 =	sor.u32 $0x8000, s16;
	s25 =	sor.u32 s0, s10;
	v40 =	vld [tilespmem:s24+$0x0]  }
0xfc: {  	s14 =	sor.u32 s0, s28;
	v41 =	vld [tilespmem:s25+$0x0]  }
0xfd: {  	v60 =	vld [tilespmem:s14+$0x0]  }
0xfe: {  	v61 =	vld [tilespmem:s14+$0x80]  }
0xff: {  	v62 =	vld [tilespmem:s14+$0x100]  }
0x100: {  	v48 =	vld [tilespmem:s14+$0x180]  }
0x101: {  	s9 =	sor.u32 $0xA280, s16;
	v49 =	vld [tilespmem:s14+$0x200]  }
0x102: {  	s21 =	sor.u32 $0xA000, s16;
	v50 =	vld [tilespmem:s14+$0x280];
	s26 =	sor.u32 s0, s9  }
0x103: {  	s15 =	sand.u32 $0x7, s23;
	s20 =	sor.u32 $0xA080, s16;
	s29 =	sor.u32 s0, s21;
	v42 =	vld [tilespmem:s26+$0x0]  }
0x104: {  	s12 =	sshll.u32 s15, $0x4;
	s25 =	sor.u32 $0xA180, s16;
	s13 =	sor.u32 s0, s20;
	v43 =	vld [tilespmem:s29+$0x0]  }
0x105: {  	s24 =	sor.u32 $0xA300, s16;
	s12 =	sadd.s32 $0x0, s12;
	s18 =	sor.u32 s0, s25;
	v63 =	vld [tilespmem:s13+$0x0]  }
0x106: {  	s19 =	sor.u32 s0, s24;
	s12 =	sadd.s32 $0x10, s12;
	v54 =	vld [tilespmem:s18+$0x0]  }
0x107: {  	s22 =	sor.u32 $0xA380, s16;
	v55 =	vld [tilespmem:s19+$0x0];
	s12 =	sor.u32 $0x300, s12  }
0x108: {  	s26 =	sor.u32 $0xA100, s16;
	s29 =	sor.u32 s0, s22;
	v52 =	vld [tilespmem:s12+$0x8000]  }
0x109: {  	s18 =	sor.u32 $0xC180, s16;
	s17 =	sor.u32 s0, s26;
	v56 =	vld [tilespmem:s29+$0x0]  }
0x10a: {  	s13 =	sor.u32 s0, s18;
	v53 =	vld [tilespmem:s17+$0x0];
	s17 =	sor.u32 $0xC100, s16;
	v33 =	vmul.f32 v58, v28  }
0x10b: {  	s14 =	sor.u32 $0xC300, s16;
	v45 =	vmul.f32 v60, v0;
	s12 =	sor.u32 s0, s17;
	v49 =	vmul.f32 v49, v4;
	v58 =	vld [tilespmem:s13+$0x0]  }
0x10c: {  	s15 =	sor.u32 s0, s14;
	v46 =	vmul.f32 v61, v1;
	v50 =	vmul.f32 v50, v5;
	v57 =	vld [tilespmem:s12+$0x0];
	s12 =	sor.u32 $0xC380, s16  }
0x10d: {  	s11 =	sor.u32 $0xE100, s16;
	v47 =	vmul.f32 v62, v2;
	v45 =	vadd.f32 v49, v45;
	v49 =	vld [tilespmem:s15+$0x0];
	s19 =	sor.u32 s0, s12;
	v52 =	vmul.f32 v52, v6  }
0x10e: {  	v51 =	vmul.f32 v51, v7;
	v48 =	vmul.f32 v48, v3;
	s13 =	sor.u32 $0xE180, s16;
	v46 =	vadd.f32 v50, v46;
	s15 =	sor.u32 s0, s11;
	v50 =	vld [tilespmem:s19+$0x0]  }
0x10f: {  	s29 =	sor.u32 s0, s13;
	v43 =	vmul.f32 v43, v8;
	s19 =	sand.u32 $0x3, s23;
	v47 =	vadd.f32 v52, v47;
	v52 =	vld [tilespmem:s15+$0x0];
	s15 =	sor.u32 $0xE300, s16  }
0x110: {  	v34 =	vmul.f32 v59, v29;
	v44 =	vmul.f32 v63, v9;
	v48 =	vadd.f32 v51, v48;
	v51 =	vld [tilespmem:s29+$0x0];
	s19 =	sshll.u32 s19, $0x5;
	s16 =	sor.u32 $0xE380, s16;
	s29 =	sor.u32 s0, s15  }
0x111: {  	v35 =	vmul.f32 v35, v24;
	v53 =	vmul.f32 v53, v10;
	v43 =	vadd.f32 v43, v45;
	s19 =	sadd.s32 $0x0, s19;
	v45 =	vld [tilespmem:s29+$0x0];
	s29 =	sor.u32 s0, s16  }
0x112: {  	v37 =	vmul.f32 v37, v20;
	v41 =	vmul.f32 v41, v12;
	v44 =	vadd.f32 v44, v46;
	v46 =	vld [tilespmem:s29+$0x0];
	s29 =	sor.u32 $0x300, s19;
	s19 =	sand.u32 $0x60, s23  }
0x113: {  	v54 =	vmul.f32 v54, v11;
	v42 =	vmul.f32 v42, v13;
	v47 =	vadd.f32 v53, v47;
	v53 =	vld [tilespmem:s29+$0x8000];
	s28 =	sor.u32 s19, s28  }
0x114: {  	v38 =	vmul.f32 v38, v21;
	v40 =	vmul.f32 v40, v17;
	v41 =	vadd.f32 v41, v43;
	v43 =	vld [tilespmem:s28+$0x0]  }
0x115: {  	v60 =	vmul.f32 v56, v15;
	v48 =	vadd.f32 v54, v48;
	v42 =	vadd.f32 v42, v44;
	v56 =	vld [tilespmem:s28+$0x80]  }
0x116: {  	v39 =	vmul.f32 v39, v16;
	v63 =	vmul.f32 v55, v14;
	v55 =	vld [tilespmem:s28+$0x100]  }
0x117: {  	v62 =	vmul.f32 v58, v19;
	v48 =	vadd.f32 v60, v48;
	v40 =	vadd.f32 v40, v42;
	v42 =	vld [tilespmem:s28+$0x180]  }
0x118: {  	v39 =	vadd.f32 v39, v41;
	v47 =	vadd.f32 v63, v47;
	v63 =	vmul.f32 v49, v22;
	v49 =	vld [tilespmem:s28+$0x200]  }
0x119: {  	v61 =	vmul.f32 v57, v18;
	v54 =	vadd.f32 v62, v48;
	v57 =	vmul.f32 v50, v23;
	s29 =	sor.u32 s23, s23;
	s21 =	sor.u32 s19, s21;
	v50 =	vld [tilespmem:s28+$0x280]  }
0x11a: {  	v36 =	vmul.f32 v36, v25;
	v37 =	vadd.f32 v37, v39;
	v38 =	vadd.f32 v38, v40;
	s28 =	sor.u32 $0x380, s29;
	v48 =	vld [tilespmem:s21+$0x0]  }
0x11b: {  	v60 =	vmul.f32 v51, v27;
	v59 =	vadd.f32 v57, v54;
	s20 =	sor.u32 s19, s20;
	v44 =	vadd.f32 v61, v47;
	v40 =	vld [tilespmem:s28+$0x8000]  }
0x11c: {  	v58 =	vmul.f32 v52, v26;
	s21 =	sor.u32 s19, s26;
	v35 =	vadd.f32 v35, v37;
	v36 =	vadd.f32 v36, v38;
	v38 =	vld [tilespmem:s20+$0x0]  }
0x11d: {  	s26 =	sor.u32 s19, s25;
	v62 =	vadd.f32 v60, v59;
	v61 =	vmul.f32 v45, v30;
	v45 =	vld [tilespmem:s21+$0x0];
	v41 =	vadd.f32 v63, v44  }
0x11e: {  	s9 =	sor.u32 s19, s9;
	v63 =	vmul.f32 v46, v31;
	v33 =	vadd.f32 v33, v35;
	v35 =	vld [tilespmem:s26+$0x0];
	v53 =	vmul.f32 v53, v6  }
0x11f: {  	s29 =	sor.u32 s19, s24;
	v34 =	vadd.f32 v34, v36;
	v44 =	vld [tilespmem:s9+$0x0];
	v43 =	vmul.f32 v43, v0;
	v54 =	vmul.f32 v56, v1  }
0x120: {  	s8 =	sor.u32 s19, s8;
	v36 =	vld [tilespmem:s29+$0x0];
	v39 =	vadd.f32 v58, v41;
	v57 =	vmul.f32 v55, v2;
	v58 =	vmul.f32 v49, v4  }
0x121: {  	s17 =	sor.u32 s19, s17;
	v52 =	vadd.f32 v63, v62;
	v42 =	vmul.f32 v42, v3;
	v59 =	vmul.f32 v50, v5;
	v50 =	vld [tilespmem:s8+$0x0]  }
0x122: {  	s10 =	sor.u32 s19, s10;
	v33 =	vadd.f32 v34, v33;
	v62 =	vmul.f32 v48, v8;
	v63 =	vld [tilespmem:s17+$0x0];
	v40 =	vmul.f32 v40, v7  }
0x123: {  	v38 =	vmul.f32 v38, v9;
	v51 =	vadd.f32 v61, v39;
	v39 =	vld [tilespmem:s10+$0x0];
	s10 =	sor.u32 s19, s22;
	v37 =	vadd.f32 v53, v57  }
0x124: {  	s7 =	sor.u32 s19, s7;
	v60 =	vadd.f32 v58, v43;
	v61 =	vadd.f32 v59, v54;
	v49 =	vld [tilespmem:s10+$0x0];
	v35 =	vmul.f32 v35, v11  }
0x125: {  	s20 =	sor.u32 s19, s18;
	v43 =	vld [tilespmem:s7+$0x0];
	v40 =	vadd.f32 v40, v42;
	v55 =	vmul.f32 v44, v13;
	v57 =	vmul.f32 v36, v14  }
0x126: {  	s5 =	sor.u32 s19, s5;
	v53 =	vld [tilespmem:s20+$0x0];
	v56 =	vadd.f32 v52, v51;
	v52 =	vmul.f32 v45, v10;
	v34 =	vadd.f32 v62, v60  }
0x127: {  	s4 =	sor.u32 s19, s4;
	s3 =	sor.u32 s19, s3;
	v54 =	vld [tilespmem:s5+$0x0];
	v38 =	vadd.f32 v38, v61;
	v40 =	vadd.f32 v35, v40;
	v60 =	vmul.f32 v50, v16  }
0x128: {  	s31 =	sor.u32 s19, s1;
	s30 =	sor.u32 s19, s2;
	s29 =	sor.u32 s19, s11;
	v61 =	vmul.f32 v63, v18;
	v33 =	vadd.f32 v56, v33;
	v37 =	vadd.f32 v52, v37;
	v56 =	vld [tilespmem:s4+$0x0]  }
0x129: {  	s24 =	sor.u32 s19, s14;
	s25 =	sor.u32 s19, s6;
	s26 =	sor.u32 s19, s12;
	v36 =	vld [tilespmem:s29+$0x0];
	v58 =	vadd.f32 v55, v38;
	v39 =	vmul.f32 v39, v12;
	v59 =	vmul.f32 v49, v15  }
0x12a: {  	s28 =	simm.s32 $0x0;
	s21 =	rddreg [dreg:$0x6];
	s22 =	sand.u32 $0x380, s23;
	v35 =	vld [tilespmem:s26+$0x0];
	v43 =	vmul.f32 v43, v17;
	v47 =	vadd.f32 v33, v32;
	v37 =	vadd.f32 v57, v37  }
0x12b: {  	s11 =	sor.u32 s19, s15;
	s7 =	sor.u32 s19, s13;
	s5 =	sadd.s32 s22, s21;
	v63 =	vmul.f32 v53, v19;
	v33 =	vld [tilespmem:s24+$0x0];
	v39 =	vadd.f32 v39, v34;
	v62 =	vadd.f32 v59, v40  }
0x12c: {  	s13 =	sor.u32 s19, s16;
	s9 =	sadd.s32 s19, s5;
	s0 =	sadd.s32 s0, s5;
	v34 =	vld [tilespmem:s3+$0x0];
	v41 =	vadd.f32 v43, v58;
	v43 =	vmul.f32 v54, v20;
	v38 =	vadd.f32 v61, v37  }
0x12d: {  	s26 =	simm.s32 $0x0;
	s24 =	simm.s32 $0x0;
	v37 =	vld [tilespmem:s25+$0x0];
	[tilespmem:s0+$0x0] =	vst v47;
	s25 =	simm.s32 $0x1;
	v40 =	vadd.f32 v60, v39;
	v42 =	vmul.f32 v56, v21;
	v39 =	vadd.f32 v63, v62  }
.LBB2_5:
0x12e: {  	v52 =	vld [tilespmem:s7+$0x0]  }
0x12f: {  	s0 =	sand.u32 $0x3, s25;
	v53 =	vld [tilespmem:s31+$0x0];
	s23 =	sadd.s32 $0x100, s23;
	s26 =	sadd.s32 $0x20, s26  }
0x130: {  	v54 =	vld [tilespmem:s30+$0x0];
	s0 =	sshll.u32 s0, $0x5;
	s4 =	sand.u32 $0x1C00, s23;
	s1 =	sadd.s32 $0x10, s26  }
0x131: {  	v55 =	vld [tilespmem:s11+$0x0];
	s6 =	sadd.s32 s0, s23;
	s3 =	sor.u32 $0xE200, s4;
	s0 =	sand.u32 $0x70, s1  }
0x132: {  	v56 =	vld [tilespmem:s13+$0x0];
	s5 =	sor.u32 $0xE280, s4;
	s8 =	sor.u32 s0, s3  }
0x133: {  	s10 =	sor.u32 $0xE000, s4;
	s13 =	sor.u32 s0, s5;
	v44 =	vld [tilespmem:s8+$0x0]  }
0x134: {  	s2 =	sand.u32 $0x60, s26;
	s1 =	sor.u32 s1, s23;
	s14 =	sor.u32 s0, s10;
	v58 =	vld [tilespmem:s13+$0x0]  }
0x135: {  	s15 =	sor.u32 $0x300, s6;
	s6 =	sor.u32 $0xE080, s4;
	s1 =	sor.u32 $0x380, s1;
	v60 =	vld [tilespmem:s14+$0x0]  }
0x136: {  	s12 =	sor.u32 s26, s23;
	s16 =	sor.u32 $0xC200, s4;
	s17 =	sor.u32 s0, s6;
	v51 =	vld [tilespmem:s1+$0x8000]  }
0x137: {  	s19 =	sor.u32 $0x380, s12;
	s20 =	sor.u32 $0xC280, s4;
	s8 =	sor.u32 s0, s16;
	v61 =	vld [tilespmem:s17+$0x0]  }
0x138: {  	s21 =	sor.u32 $0xC000, s4;
	s12 =	sor.u32 $0xC080, s4;
	s29 =	sor.u32 s0, s20;
	v63 =	vld [tilespmem:s8+$0x0]  }
0x139: {  	s18 =	sor.u32 s2, s16;
	s22 =	sor.u32 s2, s20;
	v33 =	vmul.f32 v33, v22;
	s14 =	sor.u32 s0, s12;
	v59 =	vmul.f32 v53, v28;
	v53 =	vld [tilespmem:s29+$0x0]  }
0x13a: {  	v35 =	vmul.f32 v35, v23;
	s11 =	sor.u32 s2, s21;
	s7 =	sor.u32 s0, s21;
	s13 =	sor.u32 $0xA200, s4;
	v62 =	vmul.f32 v55, v30;
	v55 =	vld [tilespmem:s14+$0x0]  }
0x13b: {  	[dreg:$0xa] =	wrdreg s22;
	s22 =	sor.u32 $0xA080, s4;
	s8 =	sor.u32 s0, s13;
	v33 =	vadd.f32 v33, v38;
	v38 =	vmul.f32 v54, v29;
	v54 =	vld [tilespmem:s7+$0x0]  }
0x13c: {  	[dreg:$0xe] =	wrdreg s11;
	v35 =	vadd.f32 v35, v39;
	v57 =	vmul.f32 v52, v27;
	v52 =	vmul.f32 v56, v31;
	s17 =	sor.u32 $0xA280, s4;
	s11 =	sor.u32 s0, s22;
	v56 =	vld [tilespmem:s8+$0x0]  }
0x13d: {  	v40 =	vadd.f32 v43, v40;
	v41 =	vadd.f32 v42, v41;
	[dreg:$0x8] =	wrdreg s18;
	s18 =	sor.u32 $0xA000, s4;
	s21 =	sor.u32 s0, s17;
	v46 =	vld [tilespmem:s11+$0x0]  }
0x13e: {  	v34 =	vmul.f32 v34, v24;
	v37 =	vmul.f32 v37, v25;
	s7 =	sor.u32 s0, s18;
	s8 =	sor.u32 $0x8000, s4;
	v35 =	vadd.f32 v57, v35;
	v57 =	vld [tilespmem:s21+$0x0]  }
0x13f: {  	s28 =	sadd.s32 $0x2, s28;
	v36 =	vmul.f32 v36, v26;
	s16 =	sor.u32 s2, s13;
	v45 =	vld [tilespmem:s7+$0x0];
	s13 =	sor.u32 s0, s8  }
0x140: {  	v34 =	vadd.f32 v34, v40;
	v37 =	vadd.f32 v37, v41;
	s14 =	sor.u32 s2, s17;
	s17 =	sand.u32 $0x7, s28;
	v47 =	vld [tilespmem:s13+$0x0]  }
0x141: {  	s31 =	sor.u32 s2, s3;
	s3 =	sshll.u32 s17, $0x4;
	v33 =	vadd.f32 v36, v33;
	v48 =	vld [tilespmem:s13+$0x80]  }
0x142: {  	s10 =	sor.u32 s2, s10;
	v34 =	vadd.f32 v59, v34;
	v37 =	vadd.f32 v38, v37;
	v49 =	vld [tilespmem:s13+$0x100];
	s3 =	sadd.s32 s23, s3  }
0x143: {  	[dreg:$0x7] =	wrdreg s10;
	v50 =	vld [tilespmem:s13+$0x180];
	v35 =	vadd.f32 v52, v35;
	s3 =	sadd.s32 $0x10, s3;
	v33 =	vadd.f32 v62, v33  }
0x144: {  	s20 =	sor.u32 s2, s18;
	s18 =	sor.u32 $0xA100, s4;
	v59 =	vld [tilespmem:s13+$0x280];
	s3 =	sor.u32 $0x300, s3  }
0x145: {  	s1 =	sor.u32 $0xA300, s4;
	s10 =	sor.u32 s2, s22;
	s22 =	sor.u32 s0, s18;
	v42 =	vmul.f32 v60, v24;
	v34 =	vadd.f32 v37, v34;
	v52 =	vld [tilespmem:s3+$0x8000];
	v33 =	vadd.f32 v35, v33  }
0x146: {  	s21 =	sor.u32 $0xA180, s4;
	s7 =	sor.u32 s0, s1;
	v51 =	vmul.f32 v51, v7;
	v40 =	vmul.f32 v53, v21;
	v53 =	vld [tilespmem:s22+$0x0]  }
0x147: {  	s11 =	sor.u32 s0, s21;
	v41 =	vmul.f32 v61, v25;
	v37 =	vmul.f32 v55, v17;
	v55 =	vld [tilespmem:s7+$0x0];
	v33 =	vadd.f32 v33, v34  }
0x148: {  	s17 =	sor.u32 $0xC100, s4;
	v36 =	vmul.f32 v54, v16;
	v38 =	vmul.f32 v56, v12;
	v54 =	vld [tilespmem:s11+$0x0]  }
0x149: {  	s6 =	sor.u32 s2, s6;
	s11 =	sor.u32 s0, s17;
	v35 =	vmul.f32 v57, v13;
	v34 =	vmul.f32 v58, v29;
	v58 =	vld [tilespmem:s13+$0x200];
	s13 =	sor.u32 $0xA380, s4;
	v33 =	vadd.f32 v33, v32  }
0x14a: {  	[dreg:$0xf] =	wrdreg s6;
	v57 =	vld [tilespmem:s11+$0x0];
	v49 =	vmul.f32 v49, v2;
	s6 =	sor.u32 s0, s13;
	v52 =	vmul.f32 v52, v6  }
0x14b: {  	s30 =	sor.u32 s2, s5;
	s29 =	sor.u32 s2, s12;
	s12 =	sor.u32 s2, s8;
	v48 =	vmul.f32 v48, v1;
	v50 =	vmul.f32 v50, v3;
	v56 =	vld [tilespmem:s6+$0x0];
	[tilespmem:s9+$0x0] =	vst v33  }
0x14c: {  	s8 =	sor.u32 s2, s1;
	v33 =	vmul.f32 v44, v28;
	s9 =	sor.u32 s2, s18;
	s18 =	sor.u32 $0xC180, s4;
	v44 =	vmul.f32 v59, v5;
	v49 =	vadd.f32 v52, v49;
	v52 =	vld [tilespmem:s15+$0x8000]  }
0x14d: {  	v39 =	vmul.f32 v63, v20;
	s22 =	sor.u32 $0xC300, s4;
	v46 =	vmul.f32 v46, v9;
	s3 =	sor.u32 s2, s13;
	v50 =	vadd.f32 v51, v50;
	s7 =	sor.u32 s0, s18;
	v51 =	vld [tilespmem:s19+$0x8000]  }
0x14e: {  	v47 =	vmul.f32 v47, v0;
	v60 =	vmul.f32 v53, v10;
	s13 =	sor.u32 $0xE100, s4;
	s6 =	sor.u32 s2, s18;
	s18 =	sor.u32 s0, s22;
	v44 =	vadd.f32 v44, v48;
	v48 =	vld [tilespmem:s7+$0x0]  }
0x14f: {  	s1 =	sor.u32 $0xC380, s4;
	v63 =	vmul.f32 v55, v14;
	v43 =	vmul.f32 v58, v4;
	v62 =	vld [tilespmem:s18+$0x0];
	s18 =	sor.u32 s2, s13;
	s13 =	sor.u32 s0, s13  }
0x150: {  	s5 =	sor.u32 s2, s21;
	s21 =	sor.u32 s2, s17;
	s17 =	sor.u32 s2, s22;
	v61 =	vmul.f32 v54, v11;
	v55 =	vmul.f32 v56, v15;
	v56 =	vld [tilespmem:s13+$0x0]  }
0x151: {  	s11 =	sor.u32 $0xE180, s4;
	s22 =	sor.u32 s2, s1;
	s1 =	sor.u32 s0, s1;
	v43 =	vadd.f32 v43, v47;
	v47 =	vadd.f32 v60, v49;
	v49 =	vld [tilespmem:s12+$0x280]  }
0x152: {  	v54 =	vadd.f32 v61, v50;
	s13 =	sor.u32 s0, s11;
	v44 =	vadd.f32 v46, v44;
	v46 =	vld [tilespmem:s1+$0x0]  }
0x153: {  	v45 =	vmul.f32 v45, v8;
	s7 =	sor.u32 s2, s11;
	s1 =	sor.u32 $0xE300, s4;
	v59 =	vld [tilespmem:s13+$0x0]  }
0x154: {  	s4 =	sor.u32 $0xE380, s4;
	s11 =	sor.u32 s2, s1;
	s1 =	sor.u32 s0, s1;
	v60 =	vadd.f32 v55, v54;
	v54 =	vld [tilespmem:s12+$0x0]  }
0x155: {  	v58 =	vmul.f32 v57, v18;
	v43 =	vadd.f32 v45, v43;
	s13 =	sor.u32 s2, s4;
	v45 =	vadd.f32 v63, v47;
	s4 =	sor.u32 s0, s4;
	v61 =	vld [tilespmem:s1+$0x0]  }
0x156: {  	v35 =	vadd.f32 v35, v44;
	v63 =	vld [tilespmem:s4+$0x0]  }
0x157: {  	v38 =	vadd.f32 v38, v43;
	v48 =	vmul.f32 v48, v19;
	v43 =	vadd.f32 v58, v45;
	v58 =	vld [tilespmem:s12+$0x100]  }
0x158: {  	v62 =	vmul.f32 v62, v22;
	v45 =	vld [tilespmem:s8+$0x0];
	v35 =	vadd.f32 v37, v35  }
0x159: {  	v55 =	vmul.f32 v56, v26;
	v56 =	vld [tilespmem:s12+$0x80];
	v36 =	vadd.f32 v36, v38;
	v53 =	vadd.f32 v48, v60  }
0x15a: {  	v46 =	vmul.f32 v46, v23;
	v37 =	vadd.f32 v62, v43;
	v44 =	vmul.f32 v59, v27;
	v60 =	vld [tilespmem:s12+$0x180]  }
0x15b: {  	v62 =	vld [tilespmem:s12+$0x200];
	v35 =	vadd.f32 v40, v35;
	v48 =	vmul.f32 v54, v0;
	v40 =	vmul.f32 v51, v7  }
0x15c: {  	v51 =	vld [tilespmem:s29+$0x0];
	v36 =	vadd.f32 v39, v36;
	v57 =	vadd.f32 v46, v53;
	v59 =	vmul.f32 v61, v30  }
0x15d: {  	v37 =	vadd.f32 v55, v37;
	v38 =	vmul.f32 v63, v31;
	v63 =	vmul.f32 v52, v6;
	v53 =	vld [tilespmem:s20+$0x0]  }
0x15e: {  	v35 =	vadd.f32 v41, v35;
	v52 =	vmul.f32 v58, v2;
	v58 =	vld [tilespmem:s9+$0x0];
	v36 =	vadd.f32 v42, v36  }
0x15f: {  	s19 =	rddreg [dreg:$0xe];
	v61 =	vadd.f32 v44, v57;
	v37 =	vadd.f32 v59, v37;
	v50 =	vmul.f32 v56, v1;
	v56 =	vld [tilespmem:s10+$0x0]  }
0x160: {  	v59 =	vmul.f32 v49, v5;
	v49 =	vld [tilespmem:s19+$0x0];
	v34 =	vadd.f32 v34, v35;
	v57 =	vmul.f32 v62, v4  }
0x161: {  	v55 =	vmul.f32 v60, v3;
	v60 =	vld [tilespmem:s5+$0x0];
	v33 =	vadd.f32 v33, v36;
	v38 =	vadd.f32 v38, v61  }
0x162: {  	v41 =	vadd.f32 v63, v52;
	v63 =	vld [tilespmem:s14+$0x0];
	v35 =	vadd.f32 v57, v48  }
0x163: {  	v61 =	vld [tilespmem:s16+$0x0];
	v62 =	vmul.f32 v53, v8;
	v33 =	vadd.f32 v34, v33;
	v54 =	vadd.f32 v38, v37  }
0x164: {  	v48 =	vld [tilespmem:s3+$0x0];
	v34 =	vadd.f32 v59, v50;
	v37 =	vadd.f32 v40, v55  }
0x165: {  	v53 =	vld [tilespmem:s21+$0x0];
	v47 =	vmul.f32 v58, v10;
	v38 =	vmul.f32 v56, v9;
	v46 =	vadd.f32 v62, v35  }
0x166: {  	s20 =	rddreg [dreg:$0x8];
	v55 =	vld [tilespmem:s6+$0x0];
	v59 =	vmul.f32 v49, v16;
	v33 =	vadd.f32 v54, v33;
	v36 =	vmul.f32 v60, v11  }
0x167: {  	s24 =	sadd.s32 $0x2, s24;
	v57 =	vld [tilespmem:s20+$0x0];
	s21 =	rddreg [dreg:$0xa];
	v35 =	vadd.f32 v47, v41;
	v52 =	vmul.f32 v63, v13;
	v54 =	vmul.f32 v45, v14  }
0x168: {  	p1 =	slt.u32 s24, $0x3E;
	s15 =	sand.u32 $0x380, s26;
	s12 =	rddreg [dreg:$0x6];
	v60 =	vld [tilespmem:s21+$0x0];
	v34 =	vadd.f32 v38, v34;
	v50 =	vmul.f32 v61, v12;
	v33 =	vadd.f32 v33, v32  }
.Ltmp3:
0x169: {  	s1 =	sadd.s32 s15, s12;
	s29 =	rddreg [dreg:$0xf];
	v36 =	vadd.f32 v36, v37;
	v56 =	vmul.f32 v48, v15;
	v58 =	vadd.f32 v54, v35;
	v35 =	vld [tilespmem:s22+$0x0];
	(pc) =	sbr.rel @p1 .LBB2_5-.Ltmp3, $4  }
0x16a: {  	s0 =	sadd.s32 s0, s1;
	v61 =	vmul.f32 v51, v17;
	v37 =	vld [tilespmem:s29+$0x0];
	v41 =	vadd.f32 v50, v46;
	v34 =	vadd.f32 v52, v34  }
0x16b: {  	v62 =	vmul.f32 v53, v18;
	s22 =	rddreg [dreg:$0x7];
	v63 =	vmul.f32 v55, v19;
	[tilespmem:s0+$0x0] =	vst v33;
	v36 =	vadd.f32 v56, v36;
	v33 =	vld [tilespmem:s17+$0x0]  }
0x16c: {  	v43 =	vmul.f32 v57, v20;
	v40 =	vadd.f32 v59, v41;
	v41 =	vadd.f32 v61, v34;
	v34 =	vld [tilespmem:s22+$0x0]  }
0x16d: {  	s25 =	sadd.s32 $0x1, s25;
	s9 =	sadd.s32 s2, s1;
	v38 =	vadd.f32 v62, v58;
	v42 =	vmul.f32 v60, v21;
	v39 =	vadd.f32 v63, v36;
	v36 =	vld [tilespmem:s18+$0x0]  }
0x16e: {  	v44 =	vld [tilespmem:s7+$0x0]  }
0x16f: {  	v45 =	vld [tilespmem:s31+$0x0]  }
0x170: {  	v46 =	vld [tilespmem:s30+$0x0]  }
0x171: {  	v47 =	vld [tilespmem:s11+$0x0];
	v35 =	vmul.f32 v35, v23  }
0x172: {  	v57 =	vld [tilespmem:s13+$0x0];
	v41 =	vadd.f32 v42, v41;
	v37 =	vmul.f32 v37, v25  }
0x173: {  	v40 =	vadd.f32 v43, v40;
	v33 =	vmul.f32 v33, v22;
	v35 =	vadd.f32 v35, v39  }
0x174: {  	v34 =	vmul.f32 v34, v24;
	v37 =	vadd.f32 v37, v41;
	v36 =	vmul.f32 v36, v26  }
0x175: {  	v33 =	vadd.f32 v33, v38;
	v58 =	vmul.f32 v44, v27;
	v59 =	vmul.f32 v45, v28  }
0x176: {  	v34 =	vadd.f32 v34, v40;
	v60 =	vmul.f32 v46, v29;
	v61 =	vmul.f32 v47, v30  }
0x177: {  	v62 =	vmul.f32 v57, v31;
	v33 =	vadd.f32 v36, v33;
	v35 =	vadd.f32 v58, v35  }
0x178: {  	v34 =	vadd.f32 v59, v34;
	v63 =	vadd.f32 v60, v37  }
0x179: {  	v33 =	vadd.f32 v61, v33;
	v35 =	vadd.f32 v62, v35;
	_ =	sdelay $0x1  }
0x17a: {  	v34 =	vadd.f32 v63, v34;
	v33 =	vadd.f32 v35, v33;
	_ =	sdelay $0x1  }
.Ltmp4:
0x17b: {  	v33 =	vadd.f32 v33, v34;
	(pc) =	sbr.rel @p0 .LBB2_8-.Ltmp4, $3  }
0x17c: {  	_ = 	snop  }
0x17d: {  	v33 =	vadd.f32 v33, v32;
	_ =	sdelay $0x1  }
0x17e: {  	[tilespmem:s9+$0x0] =	vst v33  }
.Ltmp5:
0x17f: {  	s0 =	rddreg [dreg:$0x14];
	(pc) =	sbr.rel .LBB2_2-.Ltmp5, $4  }
0x180: {  	s1 =	rddreg [dreg:$0x19]  }
0x181: {  	s30 =	simm.s32 $0x2000;
	s2 =	simm.s32 $0x800000;
	s31 =	rddreg [dreg:$0x18]  }
0x182: {  	s3 =	simm.s32 $0x8000;
	s0 =	sadd.s32 s1, s0;
	s1 =	sadd.s32 $0x1, s31  }
0x183: {  	[tilespmem:s3], [sflag:$0x2] =	stream.strided.gather [hbm4b:s0+s30], $0x8000, s2, s30, $0x38;
	[tilespmem:$0x14A80] =	vst v63  }
.LBB2_9:
0x184: {  	_ =	sfence.sel $0x180000  }
0x185: {  	[bflag:$0x0] =	sbarrier.arrive $0xFFFF  }
0x186: {  	_ =	strace $0x90000047  }
0x187: {  	s0 =	stileid.u32;
	[bflag:$0x2] =	sbarrier.arrive $0xFFFF  }
0x188: {  	p0 =	sne.s32 s0, $0x0;
	s0 =	rddreg [dreg:$0x4]  }
0x189: {  	s0 =	sadd.s32 @!p0 $0x100000, s0  }
0x18a: {  	[sflag:s0] =	ssyncadd.tile.s32 @!p0 $0x1;
	_ =	shalt  }
.Lfunc_end2:
_tile_overlayer_lowered:
.L_overlay_start_2:
0x18b: {  	(tag) =	ssettag $0x2  }
0x18c: {  	s0 =	rddreg [dreg:$0x0];
	s2 =	stileid.u32  }
0x18d: {  	s1 =	rddreg [dreg:$0x1];
	p0 =	sne.s32 s2, $0x0  }
0x18e: {  	s3 =	rddreg [dreg:$0x2];
	[bflag:$0x3] =	sbarrier.arrive $0xFFFF;
	s2 =	simm.s32 @!p0 $0x1C03  }
0x18f: {  	[timem:s3], [sflag:s2] =	dma.local @!p0 [hbm:s0], s1  }
0x190: {  	s0 =	simm.s32 @!p0 $0x3  }
0x191: {  	_ =	swait.ge @!p0 [sflag:s0], s1  }
0x192: {  	s1 =	ssub.s32 @!p0 $0x0, s1;
	[sflag:s0] =	ssyncset.done @!p0 $0x0  }
0x193: {  	[sflag:s0] =	ssyncadd.s32 @!p0 s1  }
0x194: {  	[bflag:$0x3] =	sbarrier.arrive $0xFFFF  }
0x195: {  	_ =	shalt  }

</sc_bundles>
